<compile_context>
chip_gen: v7x
topology: tpu7x:2x2x1
jax: 0.10.2.dev20260603
libtpu: 0.0.44.dev20260713+nightly
codegen_flags: <defaults>
</compile_context>

<pallas_src>
import jax
import jax.numpy as jnp
from jax import lax
from jax.experimental import pallas as pl
from jax.experimental.pallas import tpu as pltpu
from jax.experimental.pallas import tpu_sc as plsc

EPS_ = 0.01
NGROUPS = 32
NC = 2
NS = 16
NW = NC * NS
LANES = 16

ROWS = 200
COLS = 16384
COLS_W = COLS // NW
RCHUNK = 8
NCHUNK = ROWS // RCHUNK
NVROW = COLS_W // LANES
TABLE = 48


def _body(x_hbm, g_hbm, mins_hbm, maxs_hbm, out_hbm,
          xv, gv, ov, tab_m, tab_r, ptab, sems):
    wid = lax.axis_index("s") * NC + lax.axis_index("c")
    col0 = wid * COLS_W

    pltpu.sync_copy(mins_hbm, tab_m)
    pltpu.sync_copy(maxs_hbm, tab_r)
    for j in range(NGROUPS // LANES):
        sl = pl.ds(j * LANES, LANES)
        m = tab_m[sl]
        r = tab_r[sl] - m
        s = (1.0 - 2.0 * EPS_) / r
        o = EPS_ - s * m
        s_hi = (plsc.bitcast(s, jnp.int32) + 0x8000) & jnp.int32(-65536)
        o_hi = plsc.bitcast(o, jnp.int32) + 0x8000
        o_lo = lax.shift_right_logical(o_hi, 16)
        w = s_hi | o_lo
        idx = lax.iota(jnp.int32, LANES) + (1 + j * LANES)
        plsc.store_scatter(ptab, [idx], w)

    GROUP = 8
    NBUF = 4

    def compute(b):
        @pl.loop(0, RCHUNK)
        def _(r):
            for c0 in range(0, NVROW, GROUP):
                sls = [pl.ds((c0 + k) * LANES, LANES) for k in range(GROUP)]
                gs = [gv[b, r, sl] for sl in sls]
                ws = [plsc.load_gather(ptab, [g]) for g in gs]
                xs = [xv[b, r, sl] for sl in sls]
                for k in range(GROUP):
                    s = plsc.bitcast(ws[k] & jnp.int32(-65536), jnp.float32)
                    o = plsc.bitcast(lax.shift_left(ws[k], 16), jnp.float32)
                    ov[b, r, sls[k]] = xs[k] * s + o

    def start_in(c, b):
        rows = pl.ds(c * RCHUNK, RCHUNK)
        cols = pl.ds(col0, COLS_W)
        pltpu.async_copy(x_hbm.at[rows, cols], xv.at[b], sems.at[b, 0])
        pltpu.async_copy(g_hbm.at[rows, cols], gv.at[b], sems.at[b, 1])

    def wait_in(b):
        pltpu.make_async_copy(x_hbm.at[pl.ds(0, RCHUNK), pl.ds(0, COLS_W)],
                              xv.at[b], sems.at[b, 0]).wait()
        pltpu.make_async_copy(g_hbm.at[pl.ds(0, RCHUNK), pl.ds(0, COLS_W)],
                              gv.at[b], sems.at[b, 1]).wait()

    def start_out(c, b):
        rows = pl.ds(c * RCHUNK, RCHUNK)
        cols = pl.ds(col0, COLS_W)
        pltpu.async_copy(ov.at[b], out_hbm.at[rows, cols], sems.at[b, 2])

    def wait_out(b):
        pltpu.make_async_copy(ov.at[b],
                              out_hbm.at[pl.ds(0, RCHUNK), pl.ds(0, COLS_W)],
                              sems.at[b, 2]).wait()

    start_in(0, 0)
    start_in(1, 1)
    start_in(2, 2)

    @pl.loop(0, NCHUNK)
    def _(c):
        b = lax.rem(c, NBUF)

        @pl.when(c + 3 < NCHUNK)
        def _():
            start_in(c + 3, lax.rem(c + 3, NBUF))

        wait_in(b)

        @pl.when(c >= NBUF)
        def _():
            wait_out(b)

        compute(b)
        start_out(c, b)

    for k in range(NBUF):
        wait_out(lax.rem(NCHUNK - NBUF + k, NBUF))


@jax.jit
def _run(xt, gt, mins, maxs):
    mesh = plsc.VectorSubcoreMesh(core_axis_name="c", subcore_axis_name="s")
    f = pl.kernel(
        _body,
        out_type=jax.ShapeDtypeStruct((ROWS, COLS), jnp.float32),
        mesh=mesh,
        compiler_params=pltpu.CompilerParams(
            needs_layout_passes=False,
            use_tc_tiling_on_sc=True,
        ),
        scratch_types=[
            pltpu.VMEM((4, RCHUNK, COLS_W), jnp.float32),
            pltpu.VMEM((4, RCHUNK, COLS_W), jnp.int32),
            pltpu.VMEM((4, RCHUNK, COLS_W), jnp.float32),
            pltpu.VMEM((NGROUPS,), jnp.float32),
            pltpu.VMEM((NGROUPS,), jnp.float32),
            pltpu.VMEM((TABLE,), jnp.int32),
            pltpu.SemaphoreType.DMA((4, 3)),
        ],
    )
    return f(xt, gt, mins, maxs)


def kernel(x, group, mins, maxs):
    return _run(x.T, group.T, mins, maxs).T

# --- scband reference (transcript-rebuilt; emitter-appended) ---
"""Pipeline reference for scband-cont-transformer-range-grouped-45466523796013 (READ-ONLY COPY).

The authoritative reference and input builder live on the scoring server;
editing this copy changes nothing except your own understanding.
"""

import jax, jax.numpy as jnp
import numpy as np

EPS = 0.01
NUM_GROUPS = 32
BATCH = 16384
HIST = 200


def setup_inputs(seed: int = 0) -> dict:
    key = jax.random.key(seed)
    k1, k2, k3, k4 = jax.random.split(key, 4)
    # forward inputs
    x = jax.random.normal(k1, (BATCH, HIST), dtype=jnp.float32) * 3.0
    # group ids are 1-based in the original module (forward indexes with group - 1)
    group = jax.random.randint(k2, (BATCH, HIST), 1, NUM_GROUPS + 1, dtype=jnp.int32)
    # learned/derived parameters: per-group mins and maxs (computed in __init__ of the torch module)
    mins = -2.0 * jax.random.uniform(k3, (NUM_GROUPS,), dtype=jnp.float32) - 0.5
    maxs = mins + 0.5 + 2.0 * jax.random.uniform(k4, (NUM_GROUPS,), dtype=jnp.float32)
    return {"x": x, "group": group, "mins": mins, "maxs": maxs}


def reference(x, group, mins, maxs):
    # index_select(dim=0, index=group - 1) -> gather from per-group stats tables
    idx = group - 1
    m = jnp.take(mins, idx, axis=0)
    M = jnp.take(maxs, idx, axis=0)
    # x_range == '0-1' branch
    out = EPS + (1.0 - 2.0 * EPS) * (x - m) / (M - m)
    return out.astype(jnp.float32)

if __name__ == "__main__":
    import jax
    _d = setup_inputs()
    print(jax.jit(kernel)(*tuple(_d.values())))

</pallas_src>

<mosaic_0001>
#map = affine_map<(d0, d1) -> (0, 0)>
#map1 = affine_map<(d0, d1) -> (0)>
module attributes {stable_mosaic.version = 14 : i64} {
  func.func @_body(%arg0: i32, %arg1: i32, %arg2: memref<200x16384xf32, #tpu.memory_space<hbm>>, %arg3: memref<200x16384xi32, #tpu.memory_space<hbm>>, %arg4: memref<32xf32, #tpu.memory_space<hbm>>, %arg5: memref<32xf32, #tpu.memory_space<hbm>>, %arg6: memref<200x16384xf32, #tpu.memory_space<hbm>>, %arg7: memref<4x8x512xf32, #tpu.memory_space<vmem>>, %arg8: memref<4x8x512xi32, #tpu.memory_space<vmem>>, %arg9: memref<4x8x512xf32, #tpu.memory_space<vmem>>, %arg10: memref<32xf32, #tpu.memory_space<vmem>>, %arg11: memref<32xf32, #tpu.memory_space<vmem>>, %arg12: memref<48xi32, #tpu.memory_space<vmem>>, %arg13: memref<4x3x!tpu.dma_semaphore, #tpu.memory_space<semaphore_mem>>) attributes {dimension_semantics = [#tpu.dimension_semantics<core_parallel>, #tpu.dimension_semantics<subcore_parallel>], iteration_bounds = array<i64: 2, 16>, scalar_prefetch = 0 : i64, scratch_operands = 7 : i64, tpu.core_type = #tpu.core_type<sc_vector_subcore>, window_params = [{transform_indices = #map}, {transform_indices = #map}, {transform_indices = #map1}, {transform_indices = #map1}, {transform_indices = #map}]} {
    %mul3A = arith.constant 2 : i32
    %mul3A_0 = arith.muli %arg1, %mul3A : i32
    %add3A = arith.addi %mul3A_0, %arg0 : i32
    %mul3A_1 = arith.constant 512 : i32
    %mul3A_2 = arith.muli %add3A, %mul3A_1 : i32
    "tpu.region"() ({
      %run_scoped3A = tpu.sem_alloc : memref<!tpu.dma_semaphore, #tpu.memory_space<semaphore_mem>>
      tpu.enqueue_dma source(%arg4 : memref<32xf32, #tpu.memory_space<hbm>>) target(%arg10 : memref<32xf32, #tpu.memory_space<vmem>>) target_semaphore(%run_scoped3A : memref<!tpu.dma_semaphore, #tpu.memory_space<semaphore_mem>>)
      tpu.wait_dma2 semaphore(%run_scoped3A : memref<!tpu.dma_semaphore, #tpu.memory_space<semaphore_mem>>) src(%arg4 : memref<32xf32, #tpu.memory_space<hbm>>) dst(%arg10 : memref<32xf32, #tpu.memory_space<vmem>>)
      tpu.yield
    }) : () -> ()
    "tpu.region"() ({
      %run_scoped3A = tpu.sem_alloc : memref<!tpu.dma_semaphore, #tpu.memory_space<semaphore_mem>>
      tpu.enqueue_dma source(%arg5 : memref<32xf32, #tpu.memory_space<hbm>>) target(%arg11 : memref<32xf32, #tpu.memory_space<vmem>>) target_semaphore(%run_scoped3A : memref<!tpu.dma_semaphore, #tpu.memory_space<semaphore_mem>>)
      tpu.wait_dma2 semaphore(%run_scoped3A : memref<!tpu.dma_semaphore, #tpu.memory_space<semaphore_mem>>) src(%arg5 : memref<32xf32, #tpu.memory_space<hbm>>) dst(%arg11 : memref<32xf32, #tpu.memory_space<vmem>>)
      tpu.yield
    }) : () -> ()
    %get3A = arith.constant 0 : index
    %get3A_3 = tpu.vector_load %arg10[%get3A] {strides = array<i32>} : memref<32xf32, #tpu.memory_space<vmem>>, vector<16xf32>,
    %get3A_4 = arith.constant 0 : index
    %get3A_5 = tpu.vector_load %arg11[%get3A_4] {strides = array<i32>} : memref<32xf32, #tpu.memory_space<vmem>>, vector<16xf32>,
    %sub3A = arith.subf %get3A_5, %get3A_3 : vector<16xf32>
    %div3A = arith.constant 9.800000e-01 : f32
    %div3A_6 = vector.broadcast %div3A : f32 to vector<16xf32>
    %div3A_7 = arith.divf %div3A_6, %sub3A : vector<16xf32>
    %mul3A_8 = arith.mulf %div3A_7, %get3A_3 : vector<16xf32>
    %sub3A_9 = arith.constant 0.00999999977 : f32
    %sub3A_10 = vector.broadcast %sub3A_9 : f32 to vector<16xf32>
    %sub3A_11 = arith.subf %sub3A_10, %mul3A_8 : vector<16xf32>
    %bitcast3A = vector.bitcast %div3A_7 : vector<16xf32> to vector<16xi32>
    %add3A_12 = arith.constant 32768 : i32
    %add3A_13 = vector.broadcast %add3A_12 : i32 to vector<16xi32>
    %add3A_14 = arith.addi %bitcast3A, %add3A_13 : vector<16xi32>
    %and3A = arith.constant -65536 : i32
    %and3A_15 = vector.broadcast %and3A : i32 to vector<16xi32>
    %and3A_16 = arith.andi %add3A_14, %and3A_15 : vector<16xi32>
    %bitcast3A_17 = vector.bitcast %sub3A_11 : vector<16xf32> to vector<16xi32>
    %add3A_18 = arith.constant 32768 : i32
    %add3A_19 = vector.broadcast %add3A_18 : i32 to vector<16xi32>
    %add3A_20 = arith.addi %bitcast3A_17, %add3A_19 : vector<16xi32>
    %shift_right_logical3A = arith.constant 16 : i32
    %shift_right_logical3A_21 = vector.broadcast %shift_right_logical3A : i32 to vector<16xi32>
    %shift_right_logical3A_22 = arith.shrui %add3A_20, %shift_right_logical3A_21 : vector<16xi32>
    %or3A = arith.ori %and3A_16, %shift_right_logical3A_22 : vector<16xi32>
    %iota3A = tpu.iota {dimensions = array<i32: 0>} : vector<16xi32>
    %add3A_23 = arith.constant 1 : i32
    %add3A_24 = vector.broadcast %add3A_23 : i32 to vector<16xi32>
    %add3A_25 = arith.addi %iota3A, %add3A_24 : vector<16xi32>
    tpu.vector_store_idx %arg12[%add3A_25], %or3A : memref<48xi32, #tpu.memory_space<vmem>>[vector<16xi32>], vector<16xi32>,
    %get3A_26 = arith.constant 16 : index
    %get3A_27 = tpu.vector_load %arg10[%get3A_26] {strides = array<i32>} : memref<32xf32, #tpu.memory_space<vmem>>, vector<16xf32>,
    %get3A_28 = arith.constant 16 : index
    %get3A_29 = tpu.vector_load %arg11[%get3A_28] {strides = array<i32>} : memref<32xf32, #tpu.memory_space<vmem>>, vector<16xf32>,
    %sub3A_30 = arith.subf %get3A_29, %get3A_27 : vector<16xf32>
    %div3A_31 = arith.constant 9.800000e-01 : f32
    %div3A_32 = vector.broadcast %div3A_31 : f32 to vector<16xf32>
    %div3A_33 = arith.divf %div3A_32, %sub3A_30 : vector<16xf32>
    %mul3A_34 = arith.mulf %div3A_33, %get3A_27 : vector<16xf32>
    %sub3A_35 = arith.constant 0.00999999977 : f32
    %sub3A_36 = vector.broadcast %sub3A_35 : f32 to vector<16xf32>
    %sub3A_37 = arith.subf %sub3A_36, %mul3A_34 : vector<16xf32>
    %bitcast3A_38 = vector.bitcast %div3A_33 : vector<16xf32> to vector<16xi32>
    %add3A_39 = arith.constant 32768 : i32
    %add3A_40 = vector.broadcast %add3A_39 : i32 to vector<16xi32>
    %add3A_41 = arith.addi %bitcast3A_38, %add3A_40 : vector<16xi32>
    %and3A_42 = arith.constant -65536 : i32
    %and3A_43 = vector.broadcast %and3A_42 : i32 to vector<16xi32>
    %and3A_44 = arith.andi %add3A_41, %and3A_43 : vector<16xi32>
    %bitcast3A_45 = vector.bitcast %sub3A_37 : vector<16xf32> to vector<16xi32>
    %add3A_46 = arith.constant 32768 : i32
    %add3A_47 = vector.broadcast %add3A_46 : i32 to vector<16xi32>
    %add3A_48 = arith.addi %bitcast3A_45, %add3A_47 : vector<16xi32>
    %shift_right_logical3A_49 = arith.constant 16 : i32
    %shift_right_logical3A_50 = vector.broadcast %shift_right_logical3A_49 : i32 to vector<16xi32>
    %shift_right_logical3A_51 = arith.shrui %add3A_48, %shift_right_logical3A_50 : vector<16xi32>
    %or3A_52 = arith.ori %and3A_44, %shift_right_logical3A_51 : vector<16xi32>
    %iota3A_53 = tpu.iota {dimensions = array<i32: 0>} : vector<16xi32>
    %add3A_54 = arith.constant 17 : i32
    %add3A_55 = vector.broadcast %add3A_54 : i32 to vector<16xi32>
    %add3A_56 = arith.addi %iota3A_53, %add3A_55 : vector<16xi32>
    tpu.vector_store_idx %arg12[%add3A_56], %or3A_52 : memref<48xi32, #tpu.memory_space<vmem>>[vector<16xi32>], vector<16xi32>,
    %dma_start3A = arith.constant 0 : i32
    %dma_start3A_57 = arith.constant 0 : i32
    %dma_start3A_58 = arith.constant 0 : i32
    %dma_start3A_59 = arith.constant 0 : i32
    %dma_start3A_60 = arith.constant 0 : i32
    %dma_start3A_61 = tpu.memref_slice %arg7[%dma_start3A, %dma_start3A_59, %dma_start3A_60] : memref<4x8x512xf32, #tpu.memory_space<vmem>> -> memref<1x8x512xf32, #tpu.memory_space<vmem>>
    %dma_start3A_62 = tpu.memref_squeeze %dma_start3A_61 : memref<1x8x512xf32, #tpu.memory_space<vmem>> -> memref<8x512xf32, #tpu.memory_space<vmem>>
    %dma_start3A_63 = arith.constant 0 : i32
    %dma_start3A_64 = tpu.memref_slice %arg2[%dma_start3A_63, %mul3A_2] : memref<200x16384xf32, #tpu.memory_space<hbm>> -> memref<8x512xf32, #tpu.memory_space<hbm>>
    %dma_start3A_65 = tpu.memref_slice %arg13[%dma_start3A_57, %dma_start3A_58] : memref<4x3x!tpu.dma_semaphore, #tpu.memory_space<semaphore_mem>> -> memref<1x1x!tpu.dma_semaphore, #tpu.memory_space<semaphore_mem>>
    %dma_start3A_66 = tpu.memref_squeeze %dma_start3A_65 : memref<1x1x!tpu.dma_semaphore, #tpu.memory_space<semaphore_mem>> -> memref<!tpu.dma_semaphore, #tpu.memory_space<semaphore_mem>>
    %dma_start3A_67 = arith.constant 0 : i32
    %dma_start3A_68 = arith.constant 0 : i32
    %dma_start3A_69 = tpu.memref_slice %arg7[%dma_start3A, %dma_start3A_67, %dma_start3A_68] : memref<4x8x512xf32, #tpu.memory_space<vmem>> -> memref<1x8x512xf32, #tpu.memory_space<vmem>>
    %dma_start3A_70 = tpu.memref_squeeze %dma_start3A_69 : memref<1x8x512xf32, #tpu.memory_space<vmem>> -> memref<8x512xf32, #tpu.memory_space<vmem>>
    %dma_start3A_71 = arith.constant 0 : i32
    %dma_start3A_72 = tpu.memref_slice %arg2[%dma_start3A_71, %mul3A_2] : memref<200x16384xf32, #tpu.memory_space<hbm>> -> memref<8x512xf32, #tpu.memory_space<hbm>>
    tpu.enqueue_dma source(%dma_start3A_72 : memref<8x512xf32, #tpu.memory_space<hbm>>) target(%dma_start3A_70 : memref<8x512xf32, #tpu.memory_space<vmem>>) target_semaphore(%dma_start3A_66 : memref<!tpu.dma_semaphore, #tpu.memory_space<semaphore_mem>>)
    %dma_start3A_73 = arith.constant 0 : i32
    %dma_start3A_74 = arith.constant 0 : i32
    %dma_start3A_75 = arith.constant 1 : i32
    %dma_start3A_76 = arith.constant 0 : i32
    %dma_start3A_77 = arith.constant 0 : i32
    %dma_start3A_78 = tpu.memref_slice %arg8[%dma_start3A_73, %dma_start3A_76, %dma_start3A_77] : memref<4x8x512xi32, #tpu.memory_space<vmem>> -> memref<1x8x512xi32, #tpu.memory_space<vmem>>
    %dma_start3A_79 = tpu.memref_squeeze %dma_start3A_78 : memref<1x8x512xi32, #tpu.memory_space<vmem>> -> memref<8x512xi32, #tpu.memory_space<vmem>>
    %dma_start3A_80 = arith.constant 0 : i32
    %dma_start3A_81 = tpu.memref_slice %arg3[%dma_start3A_80, %mul3A_2] : memref<200x16384xi32, #tpu.memory_space<hbm>> -> memref<8x512xi32, #tpu.memory_space<hbm>>
    %dma_start3A_82 = tpu.memref_slice %arg13[%dma_start3A_74, %dma_start3A_75] : memref<4x3x!tpu.dma_semaphore, #tpu.memory_space<semaphore_mem>> -> memref<1x1x!tpu.dma_semaphore, #tpu.memory_space<semaphore_mem>>
    %dma_start3A_83 = tpu.memref_squeeze %dma_start3A_82 : memref<1x1x!tpu.dma_semaphore, #tpu.memory_space<semaphore_mem>> -> memref<!tpu.dma_semaphore, #tpu.memory_space<semaphore_mem>>
    %dma_start3A_84 = arith.constant 0 : i32
    %dma_start3A_85 = arith.constant 0 : i32
    %dma_start3A_86 = tpu.memref_slice %arg8[%dma_start3A_73, %dma_start3A_84, %dma_start3A_85] : memref<4x8x512xi32, #tpu.memory_space<vmem>> -> memref<1x8x512xi32, #tpu.memory_space<vmem>>
    %dma_start3A_87 = tpu.memref_squeeze %dma_start3A_86 : memref<1x8x512xi32, #tpu.memory_space<vmem>> -> memref<8x512xi32, #tpu.memory_space<vmem>>
    %dma_start3A_88 = arith.constant 0 : i32
    %dma_start3A_89 = tpu.memref_slice %arg3[%dma_start3A_88, %mul3A_2] : memref<200x16384xi32, #tpu.memory_space<hbm>> -> memref<8x512xi32, #tpu.memory_space<hbm>>
    tpu.enqueue_dma source(%dma_start3A_89 : memref<8x512xi32, #tpu.memory_space<hbm>>) target(%dma_start3A_87 : memref<8x512xi32, #tpu.memory_space<vmem>>) target_semaphore(%dma_start3A_83 : memref<!tpu.dma_semaphore, #tpu.memory_space<semaphore_mem>>)
    %dma_start3A_90 = arith.constant 1 : i32
    %dma_start3A_91 = arith.constant 1 : i32
    %dma_start3A_92 = arith.constant 0 : i32
    %dma_start3A_93 = arith.constant 0 : i32
    %dma_start3A_94 = arith.constant 0 : i32
    %dma_start3A_95 = tpu.memref_slice %arg7[%dma_start3A_90, %dma_start3A_93, %dma_start3A_94] : memref<4x8x512xf32, #tpu.memory_space<vmem>> -> memref<1x8x512xf32, #tpu.memory_space<vmem>>
    %dma_start3A_96 = tpu.memref_squeeze %dma_start3A_95 : memref<1x8x512xf32, #tpu.memory_space<vmem>> -> memref<8x512xf32, #tpu.memory_space<vmem>>
    %dma_start3A_97 = arith.constant 8 : i32
    %dma_start3A_98 = tpu.memref_slice %arg2[%dma_start3A_97, %mul3A_2] : memref<200x16384xf32, #tpu.memory_space<hbm>> -> memref<8x512xf32, #tpu.memory_space<hbm>>
    %dma_start3A_99 = tpu.memref_slice %arg13[%dma_start3A_91, %dma_start3A_92] : memref<4x3x!tpu.dma_semaphore, #tpu.memory_space<semaphore_mem>> -> memref<1x1x!tpu.dma_semaphore, #tpu.memory_space<semaphore_mem>>
    %dma_start3A_100 = tpu.memref_squeeze %dma_start3A_99 : memref<1x1x!tpu.dma_semaphore, #tpu.memory_space<semaphore_mem>> -> memref<!tpu.dma_semaphore, #tpu.memory_space<semaphore_mem>>
    %dma_start3A_101 = arith.constant 0 : i32
    %dma_start3A_102 = arith.constant 0 : i32
    %dma_start3A_103 = tpu.memref_slice %arg7[%dma_start3A_90, %dma_start3A_101, %dma_start3A_102] : memref<4x8x512xf32, #tpu.memory_space<vmem>> -> memref<1x8x512xf32, #tpu.memory_space<vmem>>
    %dma_start3A_104 = tpu.memref_squeeze %dma_start3A_103 : memref<1x8x512xf32, #tpu.memory_space<vmem>> -> memref<8x512xf32, #tpu.memory_space<vmem>>
    %dma_start3A_105 = arith.constant 8 : i32
    %dma_start3A_106 = tpu.memref_slice %arg2[%dma_start3A_105, %mul3A_2] : memref<200x16384xf32, #tpu.memory_space<hbm>> -> memref<8x512xf32, #tpu.memory_space<hbm>>
    tpu.enqueue_dma source(%dma_start3A_106 : memref<8x512xf32, #tpu.memory_space<hbm>>) target(%dma_start3A_104 : memref<8x512xf32, #tpu.memory_space<vmem>>) target_semaphore(%dma_start3A_100 : memref<!tpu.dma_semaphore, #tpu.memory_space<semaphore_mem>>)
    %dma_start3A_107 = arith.constant 1 : i32
    %dma_start3A_108 = arith.constant 1 : i32
    %dma_start3A_109 = arith.constant 1 : i32
    %dma_start3A_110 = arith.constant 0 : i32
    %dma_start3A_111 = arith.constant 0 : i32
    %dma_start3A_112 = tpu.memref_slice %arg8[%dma_start3A_107, %dma_start3A_110, %dma_start3A_111] : memref<4x8x512xi32, #tpu.memory_space<vmem>> -> memref<1x8x512xi32, #tpu.memory_space<vmem>>
    %dma_start3A_113 = tpu.memref_squeeze %dma_start3A_112 : memref<1x8x512xi32, #tpu.memory_space<vmem>> -> memref<8x512xi32, #tpu.memory_space<vmem>>
    %dma_start3A_114 = arith.constant 8 : i32
    %dma_start3A_115 = tpu.memref_slice %arg3[%dma_start3A_114, %mul3A_2] : memref<200x16384xi32, #tpu.memory_space<hbm>> -> memref<8x512xi32, #tpu.memory_space<hbm>>
    %dma_start3A_116 = tpu.memref_slice %arg13[%dma_start3A_108, %dma_start3A_109] : memref<4x3x!tpu.dma_semaphore, #tpu.memory_space<semaphore_mem>> -> memref<1x1x!tpu.dma_semaphore, #tpu.memory_space<semaphore_mem>>
    %dma_start3A_117 = tpu.memref_squeeze %dma_start3A_116 : memref<1x1x!tpu.dma_semaphore, #tpu.memory_space<semaphore_mem>> -> memref<!tpu.dma_semaphore, #tpu.memory_space<semaphore_mem>>
    %dma_start3A_118 = arith.constant 0 : i32
    %dma_start3A_119 = arith.constant 0 : i32
    %dma_start3A_120 = tpu.memref_slice %arg8[%dma_start3A_107, %dma_start3A_118, %dma_start3A_119] : memref<4x8x512xi32, #tpu.memory_space<vmem>> -> memref<1x8x512xi32, #tpu.memory_space<vmem>>
    %dma_start3A_121 = tpu.memref_squeeze %dma_start3A_120 : memref<1x8x512xi32, #tpu.memory_space<vmem>> -> memref<8x512xi32, #tpu.memory_space<vmem>>
    %dma_start3A_122 = arith.constant 8 : i32
    %dma_start3A_123 = tpu.memref_slice %arg3[%dma_start3A_122, %mul3A_2] : memref<200x16384xi32, #tpu.memory_space<hbm>> -> memref<8x512xi32, #tpu.memory_space<hbm>>
    tpu.enqueue_dma source(%dma_start3A_123 : memref<8x512xi32, #tpu.memory_space<hbm>>) target(%dma_start3A_121 : memref<8x512xi32, #tpu.memory_space<vmem>>) target_semaphore(%dma_start3A_117 : memref<!tpu.dma_semaphore, #tpu.memory_space<semaphore_mem>>)
    %dma_start3A_124 = arith.constant 2 : i32
    %dma_start3A_125 = arith.constant 2 : i32
    %dma_start3A_126 = arith.constant 0 : i32
    %dma_start3A_127 = arith.constant 0 : i32
    %dma_start3A_128 = arith.constant 0 : i32
    %dma_start3A_129 = tpu.memref_slice %arg7[%dma_start3A_124, %dma_start3A_127, %dma_start3A_128] : memref<4x8x512xf32, #tpu.memory_space<vmem>> -> memref<1x8x512xf32, #tpu.memory_space<vmem>>
    %dma_start3A_130 = tpu.memref_squeeze %dma_start3A_129 : memref<1x8x512xf32, #tpu.memory_space<vmem>> -> memref<8x512xf32, #tpu.memory_space<vmem>>
    %dma_start3A_131 = arith.constant 16 : i32
    %dma_start3A_132 = tpu.memref_slice %arg2[%dma_start3A_131, %mul3A_2] : memref<200x16384xf32, #tpu.memory_space<hbm>> -> memref<8x512xf32, #tpu.memory_space<hbm>>
    %dma_start3A_133 = tpu.memref_slice %arg13[%dma_start3A_125, %dma_start3A_126] : memref<4x3x!tpu.dma_semaphore, #tpu.memory_space<semaphore_mem>> -> memref<1x1x!tpu.dma_semaphore, #tpu.memory_space<semaphore_mem>>
    %dma_start3A_134 = tpu.memref_squeeze %dma_start3A_133 : memref<1x1x!tpu.dma_semaphore, #tpu.memory_space<semaphore_mem>> -> memref<!tpu.dma_semaphore, #tpu.memory_space<semaphore_mem>>
    %dma_start3A_135 = arith.constant 0 : i32
    %dma_start3A_136 = arith.constant 0 : i32
    %dma_start3A_137 = tpu.memref_slice %arg7[%dma_start3A_124, %dma_start3A_135, %dma_start3A_136] : memref<4x8x512xf32, #tpu.memory_space<vmem>> -> memref<1x8x512xf32, #tpu.memory_space<vmem>>
    %dma_start3A_138 = tpu.memref_squeeze %dma_start3A_137 : memref<1x8x512xf32, #tpu.memory_space<vmem>> -> memref<8x512xf32, #tpu.memory_space<vmem>>
    %dma_start3A_139 = arith.constant 16 : i32
    %dma_start3A_140 = tpu.memref_slice %arg2[%dma_start3A_139, %mul3A_2] : memref<200x16384xf32, #tpu.memory_space<hbm>> -> memref<8x512xf32, #tpu.memory_space<hbm>>
    tpu.enqueue_dma source(%dma_start3A_140 : memref<8x512xf32, #tpu.memory_space<hbm>>) target(%dma_start3A_138 : memref<8x512xf32, #tpu.memory_space<vmem>>) target_semaphore(%dma_start3A_134 : memref<!tpu.dma_semaphore, #tpu.memory_space<semaphore_mem>>)
    %dma_start3A_141 = arith.constant 2 : i32
    %dma_start3A_142 = arith.constant 2 : i32
    %dma_start3A_143 = arith.constant 1 : i32
    %dma_start3A_144 = arith.constant 0 : i32
    %dma_start3A_145 = arith.constant 0 : i32
    %dma_start3A_146 = tpu.memref_slice %arg8[%dma_start3A_141, %dma_start3A_144, %dma_start3A_145] : memref<4x8x512xi32, #tpu.memory_space<vmem>> -> memref<1x8x512xi32, #tpu.memory_space<vmem>>
    %dma_start3A_147 = tpu.memref_squeeze %dma_start3A_146 : memref<1x8x512xi32, #tpu.memory_space<vmem>> -> memref<8x512xi32, #tpu.memory_space<vmem>>
    %dma_start3A_148 = arith.constant 16 : i32
    %dma_start3A_149 = tpu.memref_slice %arg3[%dma_start3A_148, %mul3A_2] : memref<200x16384xi32, #tpu.memory_space<hbm>> -> memref<8x512xi32, #tpu.memory_space<hbm>>
    %dma_start3A_150 = tpu.memref_slice %arg13[%dma_start3A_142, %dma_start3A_143] : memref<4x3x!tpu.dma_semaphore, #tpu.memory_space<semaphore_mem>> -> memref<1x1x!tpu.dma_semaphore, #tpu.memory_space<semaphore_mem>>
    %dma_start3A_151 = tpu.memref_squeeze %dma_start3A_150 : memref<1x1x!tpu.dma_semaphore, #tpu.memory_space<semaphore_mem>> -> memref<!tpu.dma_semaphore, #tpu.memory_space<semaphore_mem>>
    %dma_start3A_152 = arith.constant 0 : i32
    %dma_start3A_153 = arith.constant 0 : i32
    %dma_start3A_154 = tpu.memref_slice %arg8[%dma_start3A_141, %dma_start3A_152, %dma_start3A_153] : memref<4x8x512xi32, #tpu.memory_space<vmem>> -> memref<1x8x512xi32, #tpu.memory_space<vmem>>
    %dma_start3A_155 = tpu.memref_squeeze %dma_start3A_154 : memref<1x8x512xi32, #tpu.memory_space<vmem>> -> memref<8x512xi32, #tpu.memory_space<vmem>>
    %dma_start3A_156 = arith.constant 16 : i32
    %dma_start3A_157 = tpu.memref_slice %arg3[%dma_start3A_156, %mul3A_2] : memref<200x16384xi32, #tpu.memory_space<hbm>> -> memref<8x512xi32, #tpu.memory_space<hbm>>
    tpu.enqueue_dma source(%dma_start3A_157 : memref<8x512xi32, #tpu.memory_space<hbm>>) target(%dma_start3A_155 : memref<8x512xi32, #tpu.memory_space<vmem>>) target_semaphore(%dma_start3A_151 : memref<!tpu.dma_semaphore, #tpu.memory_space<semaphore_mem>>)
    %scan3A = arith.constant 0 : i32
    %scan3A_158 = arith.constant 25 : i32
    %scan3A_159 = arith.addi %scan3A, %scan3A_158 : i32
    %scan3A_160 = arith.constant 1 : i32
    scf.for %scan3A_240 = %scan3A to %scan3A_159 step %scan3A_160  : i32 {
      %mul3A_241 = arith.constant 1 : i32
      %mul3A_242 = arith.muli %scan3A_240, %mul3A_241 : i32
      %add3A_243 = arith.constant 0 : i32
      %add3A_244 = arith.addi %add3A_243, %mul3A_242 : i32
      %rem3A_245 = arith.constant 4 : i32
      %rem3A_246 = arith.remsi %add3A_244, %rem3A_245 : i32
      %add3A_247 = arith.constant 3 : i32
      %add3A_248 = arith.addi %add3A_244, %add3A_247 : i32
      %lt3A = arith.constant 25 : i32
      %lt3A_249 = arith.cmpi slt, %add3A_248, %lt3A : i32
      %convert_element_type3A = arith.extui %lt3A_249 : i1 to i32
      %cond3A = arith.constant 0 : i32
      %cond3A_250 = arith.cmpi ne, %convert_element_type3A, %cond3A : i32
      scf.if %cond3A_250 {
        %add3A_309 = arith.constant 3 : i32
        %add3A_310 = arith.addi %add3A_244, %add3A_309 : i32
        %add3A_311 = arith.constant 3 : i32
        %add3A_312 = arith.addi %add3A_244, %add3A_311 : i32
        %rem3A_313 = arith.constant 4 : i32
        %rem3A_314 = arith.remsi %add3A_312, %rem3A_313 : i32
        %mul3A_315 = arith.constant 8 : i32
        %mul3A_316 = arith.muli %add3A_310, %mul3A_315 : i32
        %dma_start3A_317 = arith.constant 0 : i32
        %dma_start3A_318 = arith.constant 0 : i32
        %dma_start3A_319 = arith.constant 0 : i32
        %dma_start3A_320 = tpu.memref_slice %arg7[%rem3A_314, %dma_start3A_318, %dma_start3A_319] : memref<4x8x512xf32, #tpu.memory_space<vmem>> -> memref<1x8x512xf32, #tpu.memory_space<vmem>>
        %dma_start3A_321 = tpu.memref_squeeze %dma_start3A_320 : memref<1x8x512xf32, #tpu.memory_space<vmem>> -> memref<8x512xf32, #tpu.memory_space<vmem>>
        %dma_start3A_322 = tpu.memref_slice %arg2[%mul3A_316, %mul3A_2] : memref<200x16384xf32, #tpu.memory_space<hbm>> -> memref<8x512xf32, #tpu.memory_space<hbm>>
        %dma_start3A_323 = tpu.memref_slice %arg13[%rem3A_314, %dma_start3A_317] : memref<4x3x!tpu.dma_semaphore, #tpu.memory_space<semaphore_mem>> -> memref<1x1x!tpu.dma_semaphore, #tpu.memory_space<semaphore_mem>>
        %dma_start3A_324 = tpu.memref_squeeze %dma_start3A_323 : memref<1x1x!tpu.dma_semaphore, #tpu.memory_space<semaphore_mem>> -> memref<!tpu.dma_semaphore, #tpu.memory_space<semaphore_mem>>
        %dma_start3A_325 = arith.constant 0 : i32
        %dma_start3A_326 = arith.constant 0 : i32
        %dma_start3A_327 = tpu.memref_slice %arg7[%rem3A_314, %dma_start3A_325, %dma_start3A_326] : memref<4x8x512xf32, #tpu.memory_space<vmem>> -> memref<1x8x512xf32, #tpu.memory_space<vmem>>
        %dma_start3A_328 = tpu.memref_squeeze %dma_start3A_327 : memref<1x8x512xf32, #tpu.memory_space<vmem>> -> memref<8x512xf32, #tpu.memory_space<vmem>>
        %dma_start3A_329 = tpu.memref_slice %arg2[%mul3A_316, %mul3A_2] : memref<200x16384xf32, #tpu.memory_space<hbm>> -> memref<8x512xf32, #tpu.memory_space<hbm>>
        tpu.enqueue_dma source(%dma_start3A_329 : memref<8x512xf32, #tpu.memory_space<hbm>>) target(%dma_start3A_328 : memref<8x512xf32, #tpu.memory_space<vmem>>) target_semaphore(%dma_start3A_324 : memref<!tpu.dma_semaphore, #tpu.memory_space<semaphore_mem>>)
        %dma_start3A_330 = arith.constant 1 : i32
        %dma_start3A_331 = arith.constant 0 : i32
        %dma_start3A_332 = arith.constant 0 : i32
        %dma_start3A_333 = tpu.memref_slice %arg8[%rem3A_314, %dma_start3A_331, %dma_start3A_332] : memref<4x8x512xi32, #tpu.memory_space<vmem>> -> memref<1x8x512xi32, #tpu.memory_space<vmem>>
        %dma_start3A_334 = tpu.memref_squeeze %dma_start3A_333 : memref<1x8x512xi32, #tpu.memory_space<vmem>> -> memref<8x512xi32, #tpu.memory_space<vmem>>
        %dma_start3A_335 = tpu.memref_slice %arg3[%mul3A_316, %mul3A_2] : memref<200x16384xi32, #tpu.memory_space<hbm>> -> memref<8x512xi32, #tpu.memory_space<hbm>>
        %dma_start3A_336 = tpu.memref_slice %arg13[%rem3A_314, %dma_start3A_330] : memref<4x3x!tpu.dma_semaphore, #tpu.memory_space<semaphore_mem>> -> memref<1x1x!tpu.dma_semaphore, #tpu.memory_space<semaphore_mem>>
        %dma_start3A_337 = tpu.memref_squeeze %dma_start3A_336 : memref<1x1x!tpu.dma_semaphore, #tpu.memory_space<semaphore_mem>> -> memref<!tpu.dma_semaphore, #tpu.memory_space<semaphore_mem>>
        %dma_start3A_338 = arith.constant 0 : i32
        %dma_start3A_339 = arith.constant 0 : i32
        %dma_start3A_340 = tpu.memref_slice %arg8[%rem3A_314, %dma_start3A_338, %dma_start3A_339] : memref<4x8x512xi32, #tpu.memory_space<vmem>> -> memref<1x8x512xi32, #tpu.memory_space<vmem>>
        %dma_start3A_341 = tpu.memref_squeeze %dma_start3A_340 : memref<1x8x512xi32, #tpu.memory_space<vmem>> -> memref<8x512xi32, #tpu.memory_space<vmem>>
        %dma_start3A_342 = tpu.memref_slice %arg3[%mul3A_316, %mul3A_2] : memref<200x16384xi32, #tpu.memory_space<hbm>> -> memref<8x512xi32, #tpu.memory_space<hbm>>
        tpu.enqueue_dma source(%dma_start3A_342 : memref<8x512xi32, #tpu.memory_space<hbm>>) target(%dma_start3A_341 : memref<8x512xi32, #tpu.memory_space<vmem>>) target_semaphore(%dma_start3A_337 : memref<!tpu.dma_semaphore, #tpu.memory_space<semaphore_mem>>)
      } else {
      }
      %dma_wait3A_251 = arith.constant 0 : i32
      %dma_wait3A_252 = arith.constant 0 : i32
      %dma_wait3A_253 = arith.constant 0 : i32
      %dma_wait3A_254 = tpu.memref_slice %arg7[%rem3A_246, %dma_wait3A_252, %dma_wait3A_253] : memref<4x8x512xf32, #tpu.memory_space<vmem>> -> memref<1x8x512xf32, #tpu.memory_space<vmem>>
      %dma_wait3A_255 = tpu.memref_squeeze %dma_wait3A_254 : memref<1x8x512xf32, #tpu.memory_space<vmem>> -> memref<8x512xf32, #tpu.memory_space<vmem>>
      %dma_wait3A_256 = arith.constant 0 : i32
      %dma_wait3A_257 = arith.constant 0 : i32
      %dma_wait3A_258 = tpu.memref_slice %arg2[%dma_wait3A_256, %dma_wait3A_257] : memref<200x16384xf32, #tpu.memory_space<hbm>> -> memref<8x512xf32, #tpu.memory_space<hbm>>
      %dma_wait3A_259 = tpu.memref_slice %arg13[%rem3A_246, %dma_wait3A_251] : memref<4x3x!tpu.dma_semaphore, #tpu.memory_space<semaphore_mem>> -> memref<1x1x!tpu.dma_semaphore, #tpu.memory_space<semaphore_mem>>
      %dma_wait3A_260 = tpu.memref_squeeze %dma_wait3A_259 : memref<1x1x!tpu.dma_semaphore, #tpu.memory_space<semaphore_mem>> -> memref<!tpu.dma_semaphore, #tpu.memory_space<semaphore_mem>>
      %dma_wait3A_261 = arith.constant 0 : i32
      %dma_wait3A_262 = arith.constant 0 : i32
      %dma_wait3A_263 = tpu.memref_slice %arg7[%rem3A_246, %dma_wait3A_261, %dma_wait3A_262] : memref<4x8x512xf32, #tpu.memory_space<vmem>> -> memref<1x8x512xf32, #tpu.memory_space<vmem>>
      %dma_wait3A_264 = tpu.memref_squeeze %dma_wait3A_263 : memref<1x8x512xf32, #tpu.memory_space<vmem>> -> memref<8x512xf32, #tpu.memory_space<vmem>>
      %dma_wait3A_265 = arith.constant 0 : i32
      %dma_wait3A_266 = arith.constant 0 : i32
      %dma_wait3A_267 = tpu.memref_slice %arg2[%dma_wait3A_265, %dma_wait3A_266] : memref<200x16384xf32, #tpu.memory_space<hbm>> -> memref<8x512xf32, #tpu.memory_space<hbm>>
      tpu.wait_dma2 semaphore(%dma_wait3A_260 : memref<!tpu.dma_semaphore, #tpu.memory_space<semaphore_mem>>) src(%dma_wait3A_267 : memref<8x512xf32, #tpu.memory_space<hbm>>) dst(%dma_wait3A_264 : memref<8x512xf32, #tpu.memory_space<vmem>>)
      %dma_wait3A_268 = arith.constant 1 : i32
      %dma_wait3A_269 = arith.constant 0 : i32
      %dma_wait3A_270 = arith.constant 0 : i32
      %dma_wait3A_271 = tpu.memref_slice %arg8[%rem3A_246, %dma_wait3A_269, %dma_wait3A_270] : memref<4x8x512xi32, #tpu.memory_space<vmem>> -> memref<1x8x512xi32, #tpu.memory_space<vmem>>
      %dma_wait3A_272 = tpu.memref_squeeze %dma_wait3A_271 : memref<1x8x512xi32, #tpu.memory_space<vmem>> -> memref<8x512xi32, #tpu.memory_space<vmem>>
      %dma_wait3A_273 = arith.constant 0 : i32
      %dma_wait3A_274 = arith.constant 0 : i32
      %dma_wait3A_275 = tpu.memref_slice %arg3[%dma_wait3A_273, %dma_wait3A_274] : memref<200x16384xi32, #tpu.memory_space<hbm>> -> memref<8x512xi32, #tpu.memory_space<hbm>>
      %dma_wait3A_276 = tpu.memref_slice %arg13[%rem3A_246, %dma_wait3A_268] : memref<4x3x!tpu.dma_semaphore, #tpu.memory_space<semaphore_mem>> -> memref<1x1x!tpu.dma_semaphore, #tpu.memory_space<semaphore_mem>>
      %dma_wait3A_277 = tpu.memref_squeeze %dma_wait3A_276 : memref<1x1x!tpu.dma_semaphore, #tpu.memory_space<semaphore_mem>> -> memref<!tpu.dma_semaphore, #tpu.memory_space<semaphore_mem>>
      %dma_wait3A_278 = arith.constant 0 : i32
      %dma_wait3A_279 = arith.constant 0 : i32
      %dma_wait3A_280 = tpu.memref_slice %arg8[%rem3A_246, %dma_wait3A_278, %dma_wait3A_279] : memref<4x8x512xi32, #tpu.memory_space<vmem>> -> memref<1x8x512xi32, #tpu.memory_space<vmem>>
      %dma_wait3A_281 = tpu.memref_squeeze %dma_wait3A_280 : memref<1x8x512xi32, #tpu.memory_space<vmem>> -> memref<8x512xi32, #tpu.memory_space<vmem>>
      %dma_wait3A_282 = arith.constant 0 : i32
      %dma_wait3A_283 = arith.constant 0 : i32
      %dma_wait3A_284 = tpu.memref_slice %arg3[%dma_wait3A_282, %dma_wait3A_283] : memref<200x16384xi32, #tpu.memory_space<hbm>> -> memref<8x512xi32, #tpu.memory_space<hbm>>
      tpu.wait_dma2 semaphore(%dma_wait3A_277 : memref<!tpu.dma_semaphore, #tpu.memory_space<semaphore_mem>>) src(%dma_wait3A_284 : memref<8x512xi32, #tpu.memory_space<hbm>>) dst(%dma_wait3A_281 : memref<8x512xi32, #tpu.memory_space<vmem>>)
      %ge3A = arith.constant 4 : i32
      %ge3A_285 = arith.cmpi sge, %add3A_244, %ge3A : i32
      %convert_element_type3A_286 = arith.extui %ge3A_285 : i1 to i32
      %cond3A_287 = arith.constant 0 : i32
      %cond3A_288 = arith.cmpi ne, %convert_element_type3A_286, %cond3A_287 : i32
      scf.if %cond3A_288 {
        %dma_wait3A_309 = arith.constant 2 : i32
        %dma_wait3A_310 = arith.constant 0 : i32
        %dma_wait3A_311 = arith.constant 0 : i32
        %dma_wait3A_312 = tpu.memref_slice %arg9[%rem3A_246, %dma_wait3A_310, %dma_wait3A_311] : memref<4x8x512xf32, #tpu.memory_space<vmem>> -> memref<1x8x512xf32, #tpu.memory_space<vmem>>
        %dma_wait3A_313 = tpu.memref_squeeze %dma_wait3A_312 : memref<1x8x512xf32, #tpu.memory_space<vmem>> -> memref<8x512xf32, #tpu.memory_space<vmem>>
        %dma_wait3A_314 = arith.constant 0 : i32
        %dma_wait3A_315 = arith.constant 0 : i32
        %dma_wait3A_316 = tpu.memref_slice %arg6[%dma_wait3A_314, %dma_wait3A_315] : memref<200x16384xf32, #tpu.memory_space<hbm>> -> memref<8x512xf32, #tpu.memory_space<hbm>>
        %dma_wait3A_317 = tpu.memref_slice %arg13[%rem3A_246, %dma_wait3A_309] : memref<4x3x!tpu.dma_semaphore, #tpu.memory_space<semaphore_mem>> -> memref<1x1x!tpu.dma_semaphore, #tpu.memory_space<semaphore_mem>>
        %dma_wait3A_318 = tpu.memref_squeeze %dma_wait3A_317 : memref<1x1x!tpu.dma_semaphore, #tpu.memory_space<semaphore_mem>> -> memref<!tpu.dma_semaphore, #tpu.memory_space<semaphore_mem>>
        %dma_wait3A_319 = arith.constant 0 : i32
        %dma_wait3A_320 = arith.constant 0 : i32
        %dma_wait3A_321 = tpu.memref_slice %arg6[%dma_wait3A_319, %dma_wait3A_320] : memref<200x16384xf32, #tpu.memory_space<hbm>> -> memref<8x512xf32, #tpu.memory_space<hbm>>
        %dma_wait3A_322 = arith.constant 0 : i32
        %dma_wait3A_323 = arith.constant 0 : i32
        %dma_wait3A_324 = tpu.memref_slice %arg9[%rem3A_246, %dma_wait3A_322, %dma_wait3A_323] : memref<4x8x512xf32, #tpu.memory_space<vmem>> -> memref<1x8x512xf32, #tpu.memory_space<vmem>>
        %dma_wait3A_325 = tpu.memref_squeeze %dma_wait3A_324 : memref<1x8x512xf32, #tpu.memory_space<vmem>> -> memref<8x512xf32, #tpu.memory_space<vmem>>
        tpu.wait_dma2 semaphore(%dma_wait3A_318 : memref<!tpu.dma_semaphore, #tpu.memory_space<semaphore_mem>>) src(%dma_wait3A_325 : memref<8x512xf32, #tpu.memory_space<vmem>>) dst(%dma_wait3A_321 : memref<8x512xf32, #tpu.memory_space<hbm>>)
      } else {
      }
      %scan3A_289 = arith.constant 0 : i32
      %scan3A_290 = arith.constant 8 : i32
      %scan3A_291 = arith.addi %scan3A_289, %scan3A_290 : i32
      %scan3A_292 = arith.constant 1 : i32
      scf.for %scan3A_309 = %scan3A_289 to %scan3A_291 step %scan3A_292  : i32 {
        %mul3A_310 = arith.constant 1 : i32
        %mul3A_311 = arith.muli %scan3A_309, %mul3A_310 : i32
        %add3A_312 = arith.constant 0 : i32
        %add3A_313 = arith.addi %add3A_312, %mul3A_311 : i32
        %get3A_314 = arith.index_cast %rem3A_246 : i32 to index
        %get3A_315 = arith.index_cast %add3A_313 : i32 to index
        %get3A_316 = arith.constant 0 : index
        %get3A_317 = tpu.vector_load %arg8[%get3A_314, %get3A_315, %get3A_316] {strides = array<i32>} : memref<4x8x512xi32, #tpu.memory_space<vmem>>, vector<16xi32>,
        %get3A_318 = arith.index_cast %rem3A_246 : i32 to index
        %get3A_319 = arith.index_cast %add3A_313 : i32 to index
        %get3A_320 = arith.constant 16 : index
        %get3A_321 = tpu.vector_load %arg8[%get3A_318, %get3A_319, %get3A_320] {strides = array<i32>} : memref<4x8x512xi32, #tpu.memory_space<vmem>>, vector<16xi32>,
        %get3A_322 = arith.index_cast %rem3A_246 : i32 to index
        %get3A_323 = arith.index_cast %add3A_313 : i32 to index
        %get3A_324 = arith.constant 32 : index
        %get3A_325 = tpu.vector_load %arg8[%get3A_322, %get3A_323, %get3A_324] {strides = array<i32>} : memref<4x8x512xi32, #tpu.memory_space<vmem>>, vector<16xi32>,
        %get3A_326 = arith.index_cast %rem3A_246 : i32 to index
        %get3A_327 = arith.index_cast %add3A_313 : i32 to index
        %get3A_328 = arith.constant 48 : index
        %get3A_329 = tpu.vector_load %arg8[%get3A_326, %get3A_327, %get3A_328] {strides = array<i32>} : memref<4x8x512xi32, #tpu.memory_space<vmem>>, vector<16xi32>,
        %get3A_330 = arith.index_cast %rem3A_246 : i32 to index
        %get3A_331 = arith.index_cast %add3A_313 : i32 to index
        %get3A_332 = arith.constant 64 : index
        %get3A_333 = tpu.vector_load %arg8[%get3A_330, %get3A_331, %get3A_332] {strides = array<i32>} : memref<4x8x512xi32, #tpu.memory_space<vmem>>, vector<16xi32>,
        %get3A_334 = arith.index_cast %rem3A_246 : i32 to index
        %get3A_335 = arith.index_cast %add3A_313 : i32 to index
        %get3A_336 = arith.constant 80 : index
        %get3A_337 = tpu.vector_load %arg8[%get3A_334, %get3A_335, %get3A_336] {strides = array<i32>} : memref<4x8x512xi32, #tpu.memory_space<vmem>>, vector<16xi32>,
        %get3A_338 = arith.index_cast %rem3A_246 : i32 to index
        %get3A_339 = arith.index_cast %add3A_313 : i32 to index
        %get3A_340 = arith.constant 96 : index
        %get3A_341 = tpu.vector_load %arg8[%get3A_338, %get3A_339, %get3A_340] {strides = array<i32>} : memref<4x8x512xi32, #tpu.memory_space<vmem>>, vector<16xi32>,
        %get3A_342 = arith.index_cast %rem3A_246 : i32 to index
        %get3A_343 = arith.index_cast %add3A_313 : i32 to index
        %get3A_344 = arith.constant 112 : index
        %get3A_345 = tpu.vector_load %arg8[%get3A_342, %get3A_343, %get3A_344] {strides = array<i32>} : memref<4x8x512xi32, #tpu.memory_space<vmem>>, vector<16xi32>,
        %gather3A = tpu.vector_load_idx %arg12[%get3A_317] : memref<48xi32, #tpu.memory_space<vmem>>[vector<16xi32>], vector<16xi32>,
        %gather3A_346 = tpu.vector_load_idx %arg12[%get3A_321] : memref<48xi32, #tpu.memory_space<vmem>>[vector<16xi32>], vector<16xi32>,
        %gather3A_347 = tpu.vector_load_idx %arg12[%get3A_325] : memref<48xi32, #tpu.memory_space<vmem>>[vector<16xi32>], vector<16xi32>,
        %gather3A_348 = tpu.vector_load_idx %arg12[%get3A_329] : memref<48xi32, #tpu.memory_space<vmem>>[vector<16xi32>], vector<16xi32>,
        %gather3A_349 = tpu.vector_load_idx %arg12[%get3A_333] : memref<48xi32, #tpu.memory_space<vmem>>[vector<16xi32>], vector<16xi32>,
        %gather3A_350 = tpu.vector_load_idx %arg12[%get3A_337] : memref<48xi32, #tpu.memory_space<vmem>>[vector<16xi32>], vector<16xi32>,
        %gather3A_351 = tpu.vector_load_idx %arg12[%get3A_341] : memref<48xi32, #tpu.memory_space<vmem>>[vector<16xi32>], vector<16xi32>,
        %gather3A_352 = tpu.vector_load_idx %arg12[%get3A_345] : memref<48xi32, #tpu.memory_space<vmem>>[vector<16xi32>], vector<16xi32>,
        %get3A_353 = arith.index_cast %rem3A_246 : i32 to index
        %get3A_354 = arith.index_cast %add3A_313 : i32 to index
        %get3A_355 = arith.constant 0 : index
        %get3A_356 = tpu.vector_load %arg7[%get3A_353, %get3A_354, %get3A_355] {strides = array<i32>} : memref<4x8x512xf32, #tpu.memory_space<vmem>>, vector<16xf32>,
        %get3A_357 = arith.index_cast %rem3A_246 : i32 to index
        %get3A_358 = arith.index_cast %add3A_313 : i32 to index
        %get3A_359 = arith.constant 16 : index
        %get3A_360 = tpu.vector_load %arg7[%get3A_357, %get3A_358, %get3A_359] {strides = array<i32>} : memref<4x8x512xf32, #tpu.memory_space<vmem>>, vector<16xf32>,
        %get3A_361 = arith.index_cast %rem3A_246 : i32 to index
        %get3A_362 = arith.index_cast %add3A_313 : i32 to index
        %get3A_363 = arith.constant 32 : index
        %get3A_364 = tpu.vector_load %arg7[%get3A_361, %get3A_362, %get3A_363] {strides = array<i32>} : memref<4x8x512xf32, #tpu.memory_space<vmem>>, vector<16xf32>,
        %get3A_365 = arith.index_cast %rem3A_246 : i32 to index
        %get3A_366 = arith.index_cast %add3A_313 : i32 to index
        %get3A_367 = arith.constant 48 : index
        %get3A_368 = tpu.vector_load %arg7[%get3A_365, %get3A_366, %get3A_367] {strides = array<i32>} : memref<4x8x512xf32, #tpu.memory_space<vmem>>, vector<16xf32>,
        %get3A_369 = arith.index_cast %rem3A_246 : i32 to index
        %get3A_370 = arith.index_cast %add3A_313 : i32 to index
        %get3A_371 = arith.constant 64 : index
        %get3A_372 = tpu.vector_load %arg7[%get3A_369, %get3A_370, %get3A_371] {strides = array<i32>} : memref<4x8x512xf32, #tpu.memory_space<vmem>>, vector<16xf32>,
        %get3A_373 = arith.index_cast %rem3A_246 : i32 to index
        %get3A_374 = arith.index_cast %add3A_313 : i32 to index
        %get3A_375 = arith.constant 80 : index
        %get3A_376 = tpu.vector_load %arg7[%get3A_373, %get3A_374, %get3A_375] {strides = array<i32>} : memref<4x8x512xf32, #tpu.memory_space<vmem>>, vector<16xf32>,
        %get3A_377 = arith.index_cast %rem3A_246 : i32 to index
        %get3A_378 = arith.index_cast %add3A_313 : i32 to index
        %get3A_379 = arith.constant 96 : index
        %get3A_380 = tpu.vector_load %arg7[%get3A_377, %get3A_378, %get3A_379] {strides = array<i32>} : memref<4x8x512xf32, #tpu.memory_space<vmem>>, vector<16xf32>,
        %get3A_381 = arith.index_cast %rem3A_246 : i32 to index
        %get3A_382 = arith.index_cast %add3A_313 : i32 to index
        %get3A_383 = arith.constant 112 : index
        %get3A_384 = tpu.vector_load %arg7[%get3A_381, %get3A_382, %get3A_383] {strides = array<i32>} : memref<4x8x512xf32, #tpu.memory_space<vmem>>, vector<16xf32>,
        %and3A_385 = arith.constant -65536 : i32
        %and3A_386 = vector.broadcast %and3A_385 : i32 to vector<16xi32>
        %and3A_387 = arith.andi %gather3A, %and3A_386 : vector<16xi32>
        %bitcast3A_388 = vector.bitcast %and3A_387 : vector<16xi32> to vector<16xf32>
        %shift_left3A = arith.constant 16 : i32
        %shift_left3A_389 = vector.broadcast %shift_left3A : i32 to vector<16xi32>
        %shift_left3A_390 = arith.shli %gather3A, %shift_left3A_389 : vector<16xi32>
        %bitcast3A_391 = vector.bitcast %shift_left3A_390 : vector<16xi32> to vector<16xf32>
        %mul3A_392 = arith.mulf %get3A_356, %bitcast3A_388 : vector<16xf32>
        %add3A_393 = arith.addf %mul3A_392, %bitcast3A_391 : vector<16xf32>
        %swap3A = arith.index_cast %rem3A_246 : i32 to index
        %swap3A_394 = arith.index_cast %add3A_313 : i32 to index
        %swap3A_395 = arith.constant 0 : index
        %swap3A_396 = tpu.vector_load %arg9[%swap3A, %swap3A_394, %swap3A_395] {strides = array<i32>} : memref<4x8x512xf32, #tpu.memory_space<vmem>>, vector<16xf32>,
        tpu.vector_store %arg9[%swap3A, %swap3A_394, %swap3A_395], %add3A_393 {strides = array<i32>} : memref<4x8x512xf32, #tpu.memory_space<vmem>>, vector<16xf32>,
        %and3A_397 = arith.constant -65536 : i32
        %and3A_398 = vector.broadcast %and3A_397 : i32 to vector<16xi32>
        %and3A_399 = arith.andi %gather3A_346, %and3A_398 : vector<16xi32>
        %bitcast3A_400 = vector.bitcast %and3A_399 : vector<16xi32> to vector<16xf32>
        %shift_left3A_401 = arith.constant 16 : i32
        %shift_left3A_402 = vector.broadcast %shift_left3A_401 : i32 to vector<16xi32>
        %shift_left3A_403 = arith.shli %gather3A_346, %shift_left3A_402 : vector<16xi32>
        %bitcast3A_404 = vector.bitcast %shift_left3A_403 : vector<16xi32> to vector<16xf32>
        %mul3A_405 = arith.mulf %get3A_360, %bitcast3A_400 : vector<16xf32>
        %add3A_406 = arith.addf %mul3A_405, %bitcast3A_404 : vector<16xf32>
        %swap3A_407 = arith.index_cast %rem3A_246 : i32 to index
        %swap3A_408 = arith.index_cast %add3A_313 : i32 to index
        %swap3A_409 = arith.constant 16 : index
        %swap3A_410 = tpu.vector_load %arg9[%swap3A_407, %swap3A_408, %swap3A_409] {strides = array<i32>} : memref<4x8x512xf32, #tpu.memory_space<vmem>>, vector<16xf32>,
        tpu.vector_store %arg9[%swap3A_407, %swap3A_408, %swap3A_409], %add3A_406 {strides = array<i32>} : memref<4x8x512xf32, #tpu.memory_space<vmem>>, vector<16xf32>,
        %and3A_411 = arith.constant -65536 : i32
        %and3A_412 = vector.broadcast %and3A_411 : i32 to vector<16xi32>
        %and3A_413 = arith.andi %gather3A_347, %and3A_412 : vector<16xi32>
        %bitcast3A_414 = vector.bitcast %and3A_413 : vector<16xi32> to vector<16xf32>
        %shift_left3A_415 = arith.constant 16 : i32
        %shift_left3A_416 = vector.broadcast %shift_left3A_415 : i32 to vector<16xi32>
        %shift_left3A_417 = arith.shli %gather3A_347, %shift_left3A_416 : vector<16xi32>
        %bitcast3A_418 = vector.bitcast %shift_left3A_417 : vector<16xi32> to vector<16xf32>
        %mul3A_419 = arith.mulf %get3A_364, %bitcast3A_414 : vector<16xf32>
        %add3A_420 = arith.addf %mul3A_419, %bitcast3A_418 : vector<16xf32>
        %swap3A_421 = arith.index_cast %rem3A_246 : i32 to index
        %swap3A_422 = arith.index_cast %add3A_313 : i32 to index
        %swap3A_423 = arith.constant 32 : index
        %swap3A_424 = tpu.vector_load %arg9[%swap3A_421, %swap3A_422, %swap3A_423] {strides = array<i32>} : memref<4x8x512xf32, #tpu.memory_space<vmem>>, vector<16xf32>,
        tpu.vector_store %arg9[%swap3A_421, %swap3A_422, %swap3A_423], %add3A_420 {strides = array<i32>} : memref<4x8x512xf32, #tpu.memory_space<vmem>>, vector<16xf32>,
        %and3A_425 = arith.constant -65536 : i32
        %and3A_426 = vector.broadcast %and3A_425 : i32 to vector<16xi32>
        %and3A_427 = arith.andi %gather3A_348, %and3A_426 : vector<16xi32>
        %bitcast3A_428 = vector.bitcast %and3A_427 : vector<16xi32> to vector<16xf32>
        %shift_left3A_429 = arith.constant 16 : i32
        %shift_left3A_430 = vector.broadcast %shift_left3A_429 : i32 to vector<16xi32>
        %shift_left3A_431 = arith.shli %gather3A_348, %shift_left3A_430 : vector<16xi32>
        %bitcast3A_432 = vector.bitcast %shift_left3A_431 : vector<16xi32> to vector<16xf32>
        %mul3A_433 = arith.mulf %get3A_368, %bitcast3A_428 : vector<16xf32>
        %add3A_434 = arith.addf %mul3A_433, %bitcast3A_432 : vector<16xf32>
        %swap3A_435 = arith.index_cast %rem3A_246 : i32 to index
        %swap3A_436 = arith.index_cast %add3A_313 : i32 to index
        %swap3A_437 = arith.constant 48 : index
        %swap3A_438 = tpu.vector_load %arg9[%swap3A_435, %swap3A_436, %swap3A_437] {strides = array<i32>} : memref<4x8x512xf32, #tpu.memory_space<vmem>>, vector<16xf32>,
        tpu.vector_store %arg9[%swap3A_435, %swap3A_436, %swap3A_437], %add3A_434 {strides = array<i32>} : memref<4x8x512xf32, #tpu.memory_space<vmem>>, vector<16xf32>,
        %and3A_439 = arith.constant -65536 : i32
        %and3A_440 = vector.broadcast %and3A_439 : i32 to vector<16xi32>
        %and3A_441 = arith.andi %gather3A_349, %and3A_440 : vector<16xi32>
        %bitcast3A_442 = vector.bitcast %and3A_441 : vector<16xi32> to vector<16xf32>
        %shift_left3A_443 = arith.constant 16 : i32
        %shift_left3A_444 = vector.broadcast %shift_left3A_443 : i32 to vector<16xi32>
        %shift_left3A_445 = arith.shli %gather3A_349, %shift_left3A_444 : vector<16xi32>
        %bitcast3A_446 = vector.bitcast %shift_left3A_445 : vector<16xi32> to vector<16xf32>
        %mul3A_447 = arith.mulf %get3A_372, %bitcast3A_442 : vector<16xf32>
        %add3A_448 = arith.addf %mul3A_447, %bitcast3A_446 : vector<16xf32>
        %swap3A_449 = arith.index_cast %rem3A_246 : i32 to index
        %swap3A_450 = arith.index_cast %add3A_313 : i32 to index
        %swap3A_451 = arith.constant 64 : index
        %swap3A_452 = tpu.vector_load %arg9[%swap3A_449, %swap3A_450, %swap3A_451] {strides = array<i32>} : memref<4x8x512xf32, #tpu.memory_space<vmem>>, vector<16xf32>,
        tpu.vector_store %arg9[%swap3A_449, %swap3A_450, %swap3A_451], %add3A_448 {strides = array<i32>} : memref<4x8x512xf32, #tpu.memory_space<vmem>>, vector<16xf32>,
        %and3A_453 = arith.constant -65536 : i32
        %and3A_454 = vector.broadcast %and3A_453 : i32 to vector<16xi32>
        %and3A_455 = arith.andi %gather3A_350, %and3A_454 : vector<16xi32>
        %bitcast3A_456 = vector.bitcast %and3A_455 : vector<16xi32> to vector<16xf32>
        %shift_left3A_457 = arith.constant 16 : i32
        %shift_left3A_458 = vector.broadcast %shift_left3A_457 : i32 to vector<16xi32>
        %shift_left3A_459 = arith.shli %gather3A_350, %shift_left3A_458 : vector<16xi32>
        %bitcast3A_460 = vector.bitcast %shift_left3A_459 : vector<16xi32> to vector<16xf32>
        %mul3A_461 = arith.mulf %get3A_376, %bitcast3A_456 : vector<16xf32>
        %add3A_462 = arith.addf %mul3A_461, %bitcast3A_460 : vector<16xf32>
        %swap3A_463 = arith.index_cast %rem3A_246 : i32 to index
        %swap3A_464 = arith.index_cast %add3A_313 : i32 to index
        %swap3A_465 = arith.constant 80 : index
        %swap3A_466 = tpu.vector_load %arg9[%swap3A_463, %swap3A_464, %swap3A_465] {strides = array<i32>} : memref<4x8x512xf32, #tpu.memory_space<vmem>>, vector<16xf32>,
        tpu.vector_store %arg9[%swap3A_463, %swap3A_464, %swap3A_465], %add3A_462 {strides = array<i32>} : memref<4x8x512xf32, #tpu.memory_space<vmem>>, vector<16xf32>,
        %and3A_467 = arith.constant -65536 : i32
        %and3A_468 = vector.broadcast %and3A_467 : i32 to vector<16xi32>
        %and3A_469 = arith.andi %gather3A_351, %and3A_468 : vector<16xi32>
        %bitcast3A_470 = vector.bitcast %and3A_469 : vector<16xi32> to vector<16xf32>
        %shift_left3A_471 = arith.constant 16 : i32
        %shift_left3A_472 = vector.broadcast %shift_left3A_471 : i32 to vector<16xi32>
        %shift_left3A_473 = arith.shli %gather3A_351, %shift_left3A_472 : vector<16xi32>
        %bitcast3A_474 = vector.bitcast %shift_left3A_473 : vector<16xi32> to vector<16xf32>
        %mul3A_475 = arith.mulf %get3A_380, %bitcast3A_470 : vector<16xf32>
        %add3A_476 = arith.addf %mul3A_475, %bitcast3A_474 : vector<16xf32>
        %swap3A_477 = arith.index_cast %rem3A_246 : i32 to index
        %swap3A_478 = arith.index_cast %add3A_313 : i32 to index
        %swap3A_479 = arith.constant 96 : index
        %swap3A_480 = tpu.vector_load %arg9[%swap3A_477, %swap3A_478, %swap3A_479] {strides = array<i32>} : memref<4x8x512xf32, #tpu.memory_space<vmem>>, vector<16xf32>,
        tpu.vector_store %arg9[%swap3A_477, %swap3A_478, %swap3A_479], %add3A_476 {strides = array<i32>} : memref<4x8x512xf32, #tpu.memory_space<vmem>>, vector<16xf32>,
        %and3A_481 = arith.constant -65536 : i32
        %and3A_482 = vector.broadcast %and3A_481 : i32 to vector<16xi32>
        %and3A_483 = arith.andi %gather3A_352, %and3A_482 : vector<16xi32>
        %bitcast3A_484 = vector.bitcast %and3A_483 : vector<16xi32> to vector<16xf32>
        %shift_left3A_485 = arith.constant 16 : i32
        %shift_left3A_486 = vector.broadcast %shift_left3A_485 : i32 to vector<16xi32>
        %shift_left3A_487 = arith.shli %gather3A_352, %shift_left3A_486 : vector<16xi32>
        %bitcast3A_488 = vector.bitcast %shift_left3A_487 : vector<16xi32> to vector<16xf32>
        %mul3A_489 = arith.mulf %get3A_384, %bitcast3A_484 : vector<16xf32>
        %add3A_490 = arith.addf %mul3A_489, %bitcast3A_488 : vector<16xf32>
        %swap3A_491 = arith.index_cast %rem3A_246 : i32 to index
        %swap3A_492 = arith.index_cast %add3A_313 : i32 to index
        %swap3A_493 = arith.constant 112 : index
        %swap3A_494 = tpu.vector_load %arg9[%swap3A_491, %swap3A_492, %swap3A_493] {strides = array<i32>} : memref<4x8x512xf32, #tpu.memory_space<vmem>>, vector<16xf32>,
        tpu.vector_store %arg9[%swap3A_491, %swap3A_492, %swap3A_493], %add3A_490 {strides = array<i32>} : memref<4x8x512xf32, #tpu.memory_space<vmem>>, vector<16xf32>,
        %get3A_495 = arith.index_cast %rem3A_246 : i32 to index
        %get3A_496 = arith.index_cast %add3A_313 : i32 to index
        %get3A_497 = arith.constant 128 : index
        %get3A_498 = tpu.vector_load %arg8[%get3A_495, %get3A_496, %get3A_497] {strides = array<i32>} : memref<4x8x512xi32, #tpu.memory_space<vmem>>, vector<16xi32>,
        %get3A_499 = arith.index_cast %rem3A_246 : i32 to index
        %get3A_500 = arith.index_cast %add3A_313 : i32 to index
        %get3A_501 = arith.constant 144 : index
        %get3A_502 = tpu.vector_load %arg8[%get3A_499, %get3A_500, %get3A_501] {strides = array<i32>} : memref<4x8x512xi32, #tpu.memory_space<vmem>>, vector<16xi32>,
        %get3A_503 = arith.index_cast %rem3A_246 : i32 to index
        %get3A_504 = arith.index_cast %add3A_313 : i32 to index
        %get3A_505 = arith.constant 160 : index
        %get3A_506 = tpu.vector_load %arg8[%get3A_503, %get3A_504, %get3A_505] {strides = array<i32>} : memref<4x8x512xi32, #tpu.memory_space<vmem>>, vector<16xi32>,
        %get3A_507 = arith.index_cast %rem3A_246 : i32 to index
        %get3A_508 = arith.index_cast %add3A_313 : i32 to index
        %get3A_509 = arith.constant 176 : index
        %get3A_510 = tpu.vector_load %arg8[%get3A_507, %get3A_508, %get3A_509] {strides = array<i32>} : memref<4x8x512xi32, #tpu.memory_space<vmem>>, vector<16xi32>,
        %get3A_511 = arith.index_cast %rem3A_246 : i32 to index
        %get3A_512 = arith.index_cast %add3A_313 : i32 to index
        %get3A_513 = arith.constant 192 : index
        %get3A_514 = tpu.vector_load %arg8[%get3A_511, %get3A_512, %get3A_513] {strides = array<i32>} : memref<4x8x512xi32, #tpu.memory_space<vmem>>, vector<16xi32>,
        %get3A_515 = arith.index_cast %rem3A_246 : i32 to index
        %get3A_516 = arith.index_cast %add3A_313 : i32 to index
        %get3A_517 = arith.constant 208 : index
        %get3A_518 = tpu.vector_load %arg8[%get3A_515, %get3A_516, %get3A_517] {strides = array<i32>} : memref<4x8x512xi32, #tpu.memory_space<vmem>>, vector<16xi32>,
        %get3A_519 = arith.index_cast %rem3A_246 : i32 to index
        %get3A_520 = arith.index_cast %add3A_313 : i32 to index
        %get3A_521 = arith.constant 224 : index
        %get3A_522 = tpu.vector_load %arg8[%get3A_519, %get3A_520, %get3A_521] {strides = array<i32>} : memref<4x8x512xi32, #tpu.memory_space<vmem>>, vector<16xi32>,
        %get3A_523 = arith.index_cast %rem3A_246 : i32 to index
        %get3A_524 = arith.index_cast %add3A_313 : i32 to index
        %get3A_525 = arith.constant 240 : index
        %get3A_526 = tpu.vector_load %arg8[%get3A_523, %get3A_524, %get3A_525] {strides = array<i32>} : memref<4x8x512xi32, #tpu.memory_space<vmem>>, vector<16xi32>,
        %gather3A_527 = tpu.vector_load_idx %arg12[%get3A_498] : memref<48xi32, #tpu.memory_space<vmem>>[vector<16xi32>], vector<16xi32>,
        %gather3A_528 = tpu.vector_load_idx %arg12[%get3A_502] : memref<48xi32, #tpu.memory_space<vmem>>[vector<16xi32>], vector<16xi32>,
        %gather3A_529 = tpu.vector_load_idx %arg12[%get3A_506] : memref<48xi32, #tpu.memory_space<vmem>>[vector<16xi32>], vector<16xi32>,
        %gather3A_530 = tpu.vector_load_idx %arg12[%get3A_510] : memref<48xi32, #tpu.memory_space<vmem>>[vector<16xi32>], vector<16xi32>,
        %gather3A_531 = tpu.vector_load_idx %arg12[%get3A_514] : memref<48xi32, #tpu.memory_space<vmem>>[vector<16xi32>], vector<16xi32>,
        %gather3A_532 = tpu.vector_load_idx %arg12[%get3A_518] : memref<48xi32, #tpu.memory_space<vmem>>[vector<16xi32>], vector<16xi32>,
        %gather3A_533 = tpu.vector_load_idx %arg12[%get3A_522] : memref<48xi32, #tpu.memory_space<vmem>>[vector<16xi32>], vector<16xi32>,
        %gather3A_534 = tpu.vector_load_idx %arg12[%get3A_526] : memref<48xi32, #tpu.memory_space<vmem>>[vector<16xi32>], vector<16xi32>,
        %get3A_535 = arith.index_cast %rem3A_246 : i32 to index
        %get3A_536 = arith.index_cast %add3A_313 : i32 to index
        %get3A_537 = arith.constant 128 : index
        %get3A_538 = tpu.vector_load %arg7[%get3A_535, %get3A_536, %get3A_537] {strides = array<i32>} : memref<4x8x512xf32, #tpu.memory_space<vmem>>, vector<16xf32>,
        %get3A_539 = arith.index_cast %rem3A_246 : i32 to index
        %get3A_540 = arith.index_cast %add3A_313 : i32 to index
        %get3A_541 = arith.constant 144 : index
        %get3A_542 = tpu.vector_load %arg7[%get3A_539, %get3A_540, %get3A_541] {strides = array<i32>} : memref<4x8x512xf32, #tpu.memory_space<vmem>>, vector<16xf32>,
        %get3A_543 = arith.index_cast %rem3A_246 : i32 to index
        %get3A_544 = arith.index_cast %add3A_313 : i32 to index
        %get3A_545 = arith.constant 160 : index
        %get3A_546 = tpu.vector_load %arg7[%get3A_543, %get3A_544, %get3A_545] {strides = array<i32>} : memref<4x8x512xf32, #tpu.memory_space<vmem>>, vector<16xf32>,
        %get3A_547 = arith.index_cast %rem3A_246 : i32 to index
        %get3A_548 = arith.index_cast %add3A_313 : i32 to index
        %get3A_549 = arith.constant 176 : index
        %get3A_550 = tpu.vector_load %arg7[%get3A_547, %get3A_548, %get3A_549] {strides = array<i32>} : memref<4x8x512xf32, #tpu.memory_space<vmem>>, vector<16xf32>,
        %get3A_551 = arith.index_cast %rem3A_246 : i32 to index
        %get3A_552 = arith.index_cast %add3A_313 : i32 to index
        %get3A_553 = arith.constant 192 : index
        %get3A_554 = tpu.vector_load %arg7[%get3A_551, %get3A_552, %get3A_553] {strides = array<i32>} : memref<4x8x512xf32, #tpu.memory_space<vmem>>, vector<16xf32>,
        %get3A_555 = arith.index_cast %rem3A_246 : i32 to index
        %get3A_556 = arith.index_cast %add3A_313 : i32 to index
        %get3A_557 = arith.constant 208 : index
        %get3A_558 = tpu.vector_load %arg7[%get3A_555, %get3A_556, %get3A_557] {strides = array<i32>} : memref<4x8x512xf32, #tpu.memory_space<vmem>>, vector<16xf32>,
        %get3A_559 = arith.index_cast %rem3A_246 : i32 to index
        %get3A_560 = arith.index_cast %add3A_313 : i32 to index
        %get3A_561 = arith.constant 224 : index
        %get3A_562 = tpu.vector_load %arg7[%get3A_559, %get3A_560, %get3A_561] {strides = array<i32>} : memref<4x8x512xf32, #tpu.memory_space<vmem>>, vector<16xf32>,
        %get3A_563 = arith.index_cast %rem3A_246 : i32 to index
        %get3A_564 = arith.index_cast %add3A_313 : i32 to index
        %get3A_565 = arith.constant 240 : index
        %get3A_566 = tpu.vector_load %arg7[%get3A_563, %get3A_564, %get3A_565] {strides = array<i32>} : memref<4x8x512xf32, #tpu.memory_space<vmem>>, vector<16xf32>,
        %and3A_567 = arith.constant -65536 : i32
        %and3A_568 = vector.broadcast %and3A_567 : i32 to vector<16xi32>
        %and3A_569 = arith.andi %gather3A_527, %and3A_568 : vector<16xi32>
        %bitcast3A_570 = vector.bitcast %and3A_569 : vector<16xi32> to vector<16xf32>
        %shift_left3A_571 = arith.constant 16 : i32
        %shift_left3A_572 = vector.broadcast %shift_left3A_571 : i32 to vector<16xi32>
        %shift_left3A_573 = arith.shli %gather3A_527, %shift_left3A_572 : vector<16xi32>
        %bitcast3A_574 = vector.bitcast %shift_left3A_573 : vector<16xi32> to vector<16xf32>
        %mul3A_575 = arith.mulf %get3A_538, %bitcast3A_570 : vector<16xf32>
        %add3A_576 = arith.addf %mul3A_575, %bitcast3A_574 : vector<16xf32>
        %swap3A_577 = arith.index_cast %rem3A_246 : i32 to index
        %swap3A_578 = arith.index_cast %add3A_313 : i32 to index
        %swap3A_579 = arith.constant 128 : index
        %swap3A_580 = tpu.vector_load %arg9[%swap3A_577, %swap3A_578, %swap3A_579] {strides = array<i32>} : memref<4x8x512xf32, #tpu.memory_space<vmem>>, vector<16xf32>,
        tpu.vector_store %arg9[%swap3A_577, %swap3A_578, %swap3A_579], %add3A_576 {strides = array<i32>} : memref<4x8x512xf32, #tpu.memory_space<vmem>>, vector<16xf32>,
        %and3A_581 = arith.constant -65536 : i32
        %and3A_582 = vector.broadcast %and3A_581 : i32 to vector<16xi32>
        %and3A_583 = arith.andi %gather3A_528, %and3A_582 : vector<16xi32>
        %bitcast3A_584 = vector.bitcast %and3A_583 : vector<16xi32> to vector<16xf32>
        %shift_left3A_585 = arith.constant 16 : i32
        %shift_left3A_586 = vector.broadcast %shift_left3A_585 : i32 to vector<16xi32>
        %shift_left3A_587 = arith.shli %gather3A_528, %shift_left3A_586 : vector<16xi32>
        %bitcast3A_588 = vector.bitcast %shift_left3A_587 : vector<16xi32> to vector<16xf32>
        %mul3A_589 = arith.mulf %get3A_542, %bitcast3A_584 : vector<16xf32>
        %add3A_590 = arith.addf %mul3A_589, %bitcast3A_588 : vector<16xf32>
        %swap3A_591 = arith.index_cast %rem3A_246 : i32 to index
        %swap3A_592 = arith.index_cast %add3A_313 : i32 to index
        %swap3A_593 = arith.constant 144 : index
        %swap3A_594 = tpu.vector_load %arg9[%swap3A_591, %swap3A_592, %swap3A_593] {strides = array<i32>} : memref<4x8x512xf32, #tpu.memory_space<vmem>>, vector<16xf32>,
        tpu.vector_store %arg9[%swap3A_591, %swap3A_592, %swap3A_593], %add3A_590 {strides = array<i32>} : memref<4x8x512xf32, #tpu.memory_space<vmem>>, vector<16xf32>,
        %and3A_595 = arith.constant -65536 : i32
        %and3A_596 = vector.broadcast %and3A_595 : i32 to vector<16xi32>
        %and3A_597 = arith.andi %gather3A_529, %and3A_596 : vector<16xi32>
        %bitcast3A_598 = vector.bitcast %and3A_597 : vector<16xi32> to vector<16xf32>
        %shift_left3A_599 = arith.constant 16 : i32
        %shift_left3A_600 = vector.broadcast %shift_left3A_599 : i32 to vector<16xi32>
        %shift_left3A_601 = arith.shli %gather3A_529, %shift_left3A_600 : vector<16xi32>
        %bitcast3A_602 = vector.bitcast %shift_left3A_601 : vector<16xi32> to vector<16xf32>
        %mul3A_603 = arith.mulf %get3A_546, %bitcast3A_598 : vector<16xf32>
        %add3A_604 = arith.addf %mul3A_603, %bitcast3A_602 : vector<16xf32>
        %swap3A_605 = arith.index_cast %rem3A_246 : i32 to index
        %swap3A_606 = arith.index_cast %add3A_313 : i32 to index
        %swap3A_607 = arith.constant 160 : index
        %swap3A_608 = tpu.vector_load %arg9[%swap3A_605, %swap3A_606, %swap3A_607] {strides = array<i32>} : memref<4x8x512xf32, #tpu.memory_space<vmem>>, vector<16xf32>,
        tpu.vector_store %arg9[%swap3A_605, %swap3A_606, %swap3A_607], %add3A_604 {strides = array<i32>} : memref<4x8x512xf32, #tpu.memory_space<vmem>>, vector<16xf32>,
        %and3A_609 = arith.constant -65536 : i32
        %and3A_610 = vector.broadcast %and3A_609 : i32 to vector<16xi32>
        %and3A_611 = arith.andi %gather3A_530, %and3A_610 : vector<16xi32>
        %bitcast3A_612 = vector.bitcast %and3A_611 : vector<16xi32> to vector<16xf32>
        %shift_left3A_613 = arith.constant 16 : i32
        %shift_left3A_614 = vector.broadcast %shift_left3A_613 : i32 to vector<16xi32>
        %shift_left3A_615 = arith.shli %gather3A_530, %shift_left3A_614 : vector<16xi32>
        %bitcast3A_616 = vector.bitcast %shift_left3A_615 : vector<16xi32> to vector<16xf32>
        %mul3A_617 = arith.mulf %get3A_550, %bitcast3A_612 : vector<16xf32>
        %add3A_618 = arith.addf %mul3A_617, %bitcast3A_616 : vector<16xf32>
        %swap3A_619 = arith.index_cast %rem3A_246 : i32 to index
        %swap3A_620 = arith.index_cast %add3A_313 : i32 to index
        %swap3A_621 = arith.constant 176 : index
        %swap3A_622 = tpu.vector_load %arg9[%swap3A_619, %swap3A_620, %swap3A_621] {strides = array<i32>} : memref<4x8x512xf32, #tpu.memory_space<vmem>>, vector<16xf32>,
        tpu.vector_store %arg9[%swap3A_619, %swap3A_620, %swap3A_621], %add3A_618 {strides = array<i32>} : memref<4x8x512xf32, #tpu.memory_space<vmem>>, vector<16xf32>,
        %and3A_623 = arith.constant -65536 : i32
        %and3A_624 = vector.broadcast %and3A_623 : i32 to vector<16xi32>
        %and3A_625 = arith.andi %gather3A_531, %and3A_624 : vector<16xi32>
        %bitcast3A_626 = vector.bitcast %and3A_625 : vector<16xi32> to vector<16xf32>
        %shift_left3A_627 = arith.constant 16 : i32
        %shift_left3A_628 = vector.broadcast %shift_left3A_627 : i32 to vector<16xi32>
        %shift_left3A_629 = arith.shli %gather3A_531, %shift_left3A_628 : vector<16xi32>
        %bitcast3A_630 = vector.bitcast %shift_left3A_629 : vector<16xi32> to vector<16xf32>
        %mul3A_631 = arith.mulf %get3A_554, %bitcast3A_626 : vector<16xf32>
        %add3A_632 = arith.addf %mul3A_631, %bitcast3A_630 : vector<16xf32>
        %swap3A_633 = arith.index_cast %rem3A_246 : i32 to index
        %swap3A_634 = arith.index_cast %add3A_313 : i32 to index
        %swap3A_635 = arith.constant 192 : index
        %swap3A_636 = tpu.vector_load %arg9[%swap3A_633, %swap3A_634, %swap3A_635] {strides = array<i32>} : memref<4x8x512xf32, #tpu.memory_space<vmem>>, vector<16xf32>,
        tpu.vector_store %arg9[%swap3A_633, %swap3A_634, %swap3A_635], %add3A_632 {strides = array<i32>} : memref<4x8x512xf32, #tpu.memory_space<vmem>>, vector<16xf32>,
        %and3A_637 = arith.constant -65536 : i32
        %and3A_638 = vector.broadcast %and3A_637 : i32 to vector<16xi32>
        %and3A_639 = arith.andi %gather3A_532, %and3A_638 : vector<16xi32>
        %bitcast3A_640 = vector.bitcast %and3A_639 : vector<16xi32> to vector<16xf32>
        %shift_left3A_641 = arith.constant 16 : i32
        %shift_left3A_642 = vector.broadcast %shift_left3A_641 : i32 to vector<16xi32>
        %shift_left3A_643 = arith.shli %gather3A_532, %shift_left3A_642 : vector<16xi32>
        %bitcast3A_644 = vector.bitcast %shift_left3A_643 : vector<16xi32> to vector<16xf32>
        %mul3A_645 = arith.mulf %get3A_558, %bitcast3A_640 : vector<16xf32>
        %add3A_646 = arith.addf %mul3A_645, %bitcast3A_644 : vector<16xf32>
        %swap3A_647 = arith.index_cast %rem3A_246 : i32 to index
        %swap3A_648 = arith.index_cast %add3A_313 : i32 to index
        %swap3A_649 = arith.constant 208 : index
        %swap3A_650 = tpu.vector_load %arg9[%swap3A_647, %swap3A_648, %swap3A_649] {strides = array<i32>} : memref<4x8x512xf32, #tpu.memory_space<vmem>>, vector<16xf32>,
        tpu.vector_store %arg9[%swap3A_647, %swap3A_648, %swap3A_649], %add3A_646 {strides = array<i32>} : memref<4x8x512xf32, #tpu.memory_space<vmem>>, vector<16xf32>,
        %and3A_651 = arith.constant -65536 : i32
        %and3A_652 = vector.broadcast %and3A_651 : i32 to vector<16xi32>
        %and3A_653 = arith.andi %gather3A_533, %and3A_652 : vector<16xi32>
        %bitcast3A_654 = vector.bitcast %and3A_653 : vector<16xi32> to vector<16xf32>
        %shift_left3A_655 = arith.constant 16 : i32
        %shift_left3A_656 = vector.broadcast %shift_left3A_655 : i32 to vector<16xi32>
        %shift_left3A_657 = arith.shli %gather3A_533, %shift_left3A_656 : vector<16xi32>
        %bitcast3A_658 = vector.bitcast %shift_left3A_657 : vector<16xi32> to vector<16xf32>
        %mul3A_659 = arith.mulf %get3A_562, %bitcast3A_654 : vector<16xf32>
        %add3A_660 = arith.addf %mul3A_659, %bitcast3A_658 : vector<16xf32>
        %swap3A_661 = arith.index_cast %rem3A_246 : i32 to index
        %swap3A_662 = arith.index_cast %add3A_313 : i32 to index
        %swap3A_663 = arith.constant 224 : index
        %swap3A_664 = tpu.vector_load %arg9[%swap3A_661, %swap3A_662, %swap3A_663] {strides = array<i32>} : memref<4x8x512xf32, #tpu.memory_space<vmem>>, vector<16xf32>,
        tpu.vector_store %arg9[%swap3A_661, %swap3A_662, %swap3A_663], %add3A_660 {strides = array<i32>} : memref<4x8x512xf32, #tpu.memory_space<vmem>>, vector<16xf32>,
        %and3A_665 = arith.constant -65536 : i32
        %and3A_666 = vector.broadcast %and3A_665 : i32 to vector<16xi32>
        %and3A_667 = arith.andi %gather3A_534, %and3A_666 : vector<16xi32>
        %bitcast3A_668 = vector.bitcast %and3A_667 : vector<16xi32> to vector<16xf32>
        %shift_left3A_669 = arith.constant 16 : i32
        %shift_left3A_670 = vector.broadcast %shift_left3A_669 : i32 to vector<16xi32>
        %shift_left3A_671 = arith.shli %gather3A_534, %shift_left3A_670 : vector<16xi32>
        %bitcast3A_672 = vector.bitcast %shift_left3A_671 : vector<16xi32> to vector<16xf32>
        %mul3A_673 = arith.mulf %get3A_566, %bitcast3A_668 : vector<16xf32>
        %add3A_674 = arith.addf %mul3A_673, %bitcast3A_672 : vector<16xf32>
        %swap3A_675 = arith.index_cast %rem3A_246 : i32 to index
        %swap3A_676 = arith.index_cast %add3A_313 : i32 to index
        %swap3A_677 = arith.constant 240 : index
        %swap3A_678 = tpu.vector_load %arg9[%swap3A_675, %swap3A_676, %swap3A_677] {strides = array<i32>} : memref<4x8x512xf32, #tpu.memory_space<vmem>>, vector<16xf32>,
        tpu.vector_store %arg9[%swap3A_675, %swap3A_676, %swap3A_677], %add3A_674 {strides = array<i32>} : memref<4x8x512xf32, #tpu.memory_space<vmem>>, vector<16xf32>,
        %get3A_679 = arith.index_cast %rem3A_246 : i32 to index
        %get3A_680 = arith.index_cast %add3A_313 : i32 to index
        %get3A_681 = arith.constant 256 : index
        %get3A_682 = tpu.vector_load %arg8[%get3A_679, %get3A_680, %get3A_681] {strides = array<i32>} : memref<4x8x512xi32, #tpu.memory_space<vmem>>, vector<16xi32>,
        %get3A_683 = arith.index_cast %rem3A_246 : i32 to index
        %get3A_684 = arith.index_cast %add3A_313 : i32 to index
        %get3A_685 = arith.constant 272 : index
        %get3A_686 = tpu.vector_load %arg8[%get3A_683, %get3A_684, %get3A_685] {strides = array<i32>} : memref<4x8x512xi32, #tpu.memory_space<vmem>>, vector<16xi32>,
        %get3A_687 = arith.index_cast %rem3A_246 : i32 to index
        %get3A_688 = arith.index_cast %add3A_313 : i32 to index
        %get3A_689 = arith.constant 288 : index
        %get3A_690 = tpu.vector_load %arg8[%get3A_687, %get3A_688, %get3A_689] {strides = array<i32>} : memref<4x8x512xi32, #tpu.memory_space<vmem>>, vector<16xi32>,
        %get3A_691 = arith.index_cast %rem3A_246 : i32 to index
        %get3A_692 = arith.index_cast %add3A_313 : i32 to index
        %get3A_693 = arith.constant 304 : index
        %get3A_694 = tpu.vector_load %arg8[%get3A_691, %get3A_692, %get3A_693] {strides = array<i32>} : memref<4x8x512xi32, #tpu.memory_space<vmem>>, vector<16xi32>,
        %get3A_695 = arith.index_cast %rem3A_246 : i32 to index
        %get3A_696 = arith.index_cast %add3A_313 : i32 to index
        %get3A_697 = arith.constant 320 : index
        %get3A_698 = tpu.vector_load %arg8[%get3A_695, %get3A_696, %get3A_697] {strides = array<i32>} : memref<4x8x512xi32, #tpu.memory_space<vmem>>, vector<16xi32>,
        %get3A_699 = arith.index_cast %rem3A_246 : i32 to index
        %get3A_700 = arith.index_cast %add3A_313 : i32 to index
        %get3A_701 = arith.constant 336 : index
        %get3A_702 = tpu.vector_load %arg8[%get3A_699, %get3A_700, %get3A_701] {strides = array<i32>} : memref<4x8x512xi32, #tpu.memory_space<vmem>>, vector<16xi32>,
        %get3A_703 = arith.index_cast %rem3A_246 : i32 to index
        %get3A_704 = arith.index_cast %add3A_313 : i32 to index
        %get3A_705 = arith.constant 352 : index
        %get3A_706 = tpu.vector_load %arg8[%get3A_703, %get3A_704, %get3A_705] {strides = array<i32>} : memref<4x8x512xi32, #tpu.memory_space<vmem>>, vector<16xi32>,
        %get3A_707 = arith.index_cast %rem3A_246 : i32 to index
        %get3A_708 = arith.index_cast %add3A_313 : i32 to index
        %get3A_709 = arith.constant 368 : index
        %get3A_710 = tpu.vector_load %arg8[%get3A_707, %get3A_708, %get3A_709] {strides = array<i32>} : memref<4x8x512xi32, #tpu.memory_space<vmem>>, vector<16xi32>,
        %gather3A_711 = tpu.vector_load_idx %arg12[%get3A_682] : memref<48xi32, #tpu.memory_space<vmem>>[vector<16xi32>], vector<16xi32>,
        %gather3A_712 = tpu.vector_load_idx %arg12[%get3A_686] : memref<48xi32, #tpu.memory_space<vmem>>[vector<16xi32>], vector<16xi32>,
        %gather3A_713 = tpu.vector_load_idx %arg12[%get3A_690] : memref<48xi32, #tpu.memory_space<vmem>>[vector<16xi32>], vector<16xi32>,
        %gather3A_714 = tpu.vector_load_idx %arg12[%get3A_694] : memref<48xi32, #tpu.memory_space<vmem>>[vector<16xi32>], vector<16xi32>,
        %gather3A_715 = tpu.vector_load_idx %arg12[%get3A_698] : memref<48xi32, #tpu.memory_space<vmem>>[vector<16xi32>], vector<16xi32>,
        %gather3A_716 = tpu.vector_load_idx %arg12[%get3A_702] : memref<48xi32, #tpu.memory_space<vmem>>[vector<16xi32>], vector<16xi32>,
        %gather3A_717 = tpu.vector_load_idx %arg12[%get3A_706] : memref<48xi32, #tpu.memory_space<vmem>>[vector<16xi32>], vector<16xi32>,
        %gather3A_718 = tpu.vector_load_idx %arg12[%get3A_710] : memref<48xi32, #tpu.memory_space<vmem>>[vector<16xi32>], vector<16xi32>,
        %get3A_719 = arith.index_cast %rem3A_246 : i32 to index
        %get3A_720 = arith.index_cast %add3A_313 : i32 to index
        %get3A_721 = arith.constant 256 : index
        %get3A_722 = tpu.vector_load %arg7[%get3A_719, %get3A_720, %get3A_721] {strides = array<i32>} : memref<4x8x512xf32, #tpu.memory_space<vmem>>, vector<16xf32>,
        %get3A_723 = arith.index_cast %rem3A_246 : i32 to index
        %get3A_724 = arith.index_cast %add3A_313 : i32 to index
        %get3A_725 = arith.constant 272 : index
        %get3A_726 = tpu.vector_load %arg7[%get3A_723, %get3A_724, %get3A_725] {strides = array<i32>} : memref<4x8x512xf32, #tpu.memory_space<vmem>>, vector<16xf32>,
        %get3A_727 = arith.index_cast %rem3A_246 : i32 to index
        %get3A_728 = arith.index_cast %add3A_313 : i32 to index
        %get3A_729 = arith.constant 288 : index
        %get3A_730 = tpu.vector_load %arg7[%get3A_727, %get3A_728, %get3A_729] {strides = array<i32>} : memref<4x8x512xf32, #tpu.memory_space<vmem>>, vector<16xf32>,
        %get3A_731 = arith.index_cast %rem3A_246 : i32 to index
        %get3A_732 = arith.index_cast %add3A_313 : i32 to index
        %get3A_733 = arith.constant 304 : index
        %get3A_734 = tpu.vector_load %arg7[%get3A_731, %get3A_732, %get3A_733] {strides = array<i32>} : memref<4x8x512xf32, #tpu.memory_space<vmem>>, vector<16xf32>,
        %get3A_735 = arith.index_cast %rem3A_246 : i32 to index
        %get3A_736 = arith.index_cast %add3A_313 : i32 to index
        %get3A_737 = arith.constant 320 : index
        %get3A_738 = tpu.vector_load %arg7[%get3A_735, %get3A_736, %get3A_737] {strides = array<i32>} : memref<4x8x512xf32, #tpu.memory_space<vmem>>, vector<16xf32>,
        %get3A_739 = arith.index_cast %rem3A_246 : i32 to index
        %get3A_740 = arith.index_cast %add3A_313 : i32 to index
        %get3A_741 = arith.constant 336 : index
        %get3A_742 = tpu.vector_load %arg7[%get3A_739, %get3A_740, %get3A_741] {strides = array<i32>} : memref<4x8x512xf32, #tpu.memory_space<vmem>>, vector<16xf32>,
        %get3A_743 = arith.index_cast %rem3A_246 : i32 to index
        %get3A_744 = arith.index_cast %add3A_313 : i32 to index
        %get3A_745 = arith.constant 352 : index
        %get3A_746 = tpu.vector_load %arg7[%get3A_743, %get3A_744, %get3A_745] {strides = array<i32>} : memref<4x8x512xf32, #tpu.memory_space<vmem>>, vector<16xf32>,
        %get3A_747 = arith.index_cast %rem3A_246 : i32 to index
        %get3A_748 = arith.index_cast %add3A_313 : i32 to index
        %get3A_749 = arith.constant 368 : index
        %get3A_750 = tpu.vector_load %arg7[%get3A_747, %get3A_748, %get3A_749] {strides = array<i32>} : memref<4x8x512xf32, #tpu.memory_space<vmem>>, vector<16xf32>,
        %and3A_751 = arith.constant -65536 : i32
        %and3A_752 = vector.broadcast %and3A_751 : i32 to vector<16xi32>
        %and3A_753 = arith.andi %gather3A_711, %and3A_752 : vector<16xi32>
        %bitcast3A_754 = vector.bitcast %and3A_753 : vector<16xi32> to vector<16xf32>
        %shift_left3A_755 = arith.constant 16 : i32
        %shift_left3A_756 = vector.broadcast %shift_left3A_755 : i32 to vector<16xi32>
        %shift_left3A_757 = arith.shli %gather3A_711, %shift_left3A_756 : vector<16xi32>
        %bitcast3A_758 = vector.bitcast %shift_left3A_757 : vector<16xi32> to vector<16xf32>
        %mul3A_759 = arith.mulf %get3A_722, %bitcast3A_754 : vector<16xf32>
        %add3A_760 = arith.addf %mul3A_759, %bitcast3A_758 : vector<16xf32>
        %swap3A_761 = arith.index_cast %rem3A_246 : i32 to index
        %swap3A_762 = arith.index_cast %add3A_313 : i32 to index
        %swap3A_763 = arith.constant 256 : index
        %swap3A_764 = tpu.vector_load %arg9[%swap3A_761, %swap3A_762, %swap3A_763] {strides = array<i32>} : memref<4x8x512xf32, #tpu.memory_space<vmem>>, vector<16xf32>,
        tpu.vector_store %arg9[%swap3A_761, %swap3A_762, %swap3A_763], %add3A_760 {strides = array<i32>} : memref<4x8x512xf32, #tpu.memory_space<vmem>>, vector<16xf32>,
        %and3A_765 = arith.constant -65536 : i32
        %and3A_766 = vector.broadcast %and3A_765 : i32 to vector<16xi32>
        %and3A_767 = arith.andi %gather3A_712, %and3A_766 : vector<16xi32>
        %bitcast3A_768 = vector.bitcast %and3A_767 : vector<16xi32> to vector<16xf32>
        %shift_left3A_769 = arith.constant 16 : i32
        %shift_left3A_770 = vector.broadcast %shift_left3A_769 : i32 to vector<16xi32>
        %shift_left3A_771 = arith.shli %gather3A_712, %shift_left3A_770 : vector<16xi32>
        %bitcast3A_772 = vector.bitcast %shift_left3A_771 : vector<16xi32> to vector<16xf32>
        %mul3A_773 = arith.mulf %get3A_726, %bitcast3A_768 : vector<16xf32>
        %add3A_774 = arith.addf %mul3A_773, %bitcast3A_772 : vector<16xf32>
        %swap3A_775 = arith.index_cast %rem3A_246 : i32 to index
        %swap3A_776 = arith.index_cast %add3A_313 : i32 to index
        %swap3A_777 = arith.constant 272 : index
        %swap3A_778 = tpu.vector_load %arg9[%swap3A_775, %swap3A_776, %swap3A_777] {strides = array<i32>} : memref<4x8x512xf32, #tpu.memory_space<vmem>>, vector<16xf32>,
        tpu.vector_store %arg9[%swap3A_775, %swap3A_776, %swap3A_777], %add3A_774 {strides = array<i32>} : memref<4x8x512xf32, #tpu.memory_space<vmem>>, vector<16xf32>,
        %and3A_779 = arith.constant -65536 : i32
        %and3A_780 = vector.broadcast %and3A_779 : i32 to vector<16xi32>
        %and3A_781 = arith.andi %gather3A_713, %and3A_780 : vector<16xi32>
        %bitcast3A_782 = vector.bitcast %and3A_781 : vector<16xi32> to vector<16xf32>
        %shift_left3A_783 = arith.constant 16 : i32
        %shift_left3A_784 = vector.broadcast %shift_left3A_783 : i32 to vector<16xi32>
        %shift_left3A_785 = arith.shli %gather3A_713, %shift_left3A_784 : vector<16xi32>
        %bitcast3A_786 = vector.bitcast %shift_left3A_785 : vector<16xi32> to vector<16xf32>
        %mul3A_787 = arith.mulf %get3A_730, %bitcast3A_782 : vector<16xf32>
        %add3A_788 = arith.addf %mul3A_787, %bitcast3A_786 : vector<16xf32>
        %swap3A_789 = arith.index_cast %rem3A_246 : i32 to index
        %swap3A_790 = arith.index_cast %add3A_313 : i32 to index
        %swap3A_791 = arith.constant 288 : index
        %swap3A_792 = tpu.vector_load %arg9[%swap3A_789, %swap3A_790, %swap3A_791] {strides = array<i32>} : memref<4x8x512xf32, #tpu.memory_space<vmem>>, vector<16xf32>,
        tpu.vector_store %arg9[%swap3A_789, %swap3A_790, %swap3A_791], %add3A_788 {strides = array<i32>} : memref<4x8x512xf32, #tpu.memory_space<vmem>>, vector<16xf32>,
        %and3A_793 = arith.constant -65536 : i32
        %and3A_794 = vector.broadcast %and3A_793 : i32 to vector<16xi32>
        %and3A_795 = arith.andi %gather3A_714, %and3A_794 : vector<16xi32>
        %bitcast3A_796 = vector.bitcast %and3A_795 : vector<16xi32> to vector<16xf32>
        %shift_left3A_797 = arith.constant 16 : i32
        %shift_left3A_798 = vector.broadcast %shift_left3A_797 : i32 to vector<16xi32>
        %shift_left3A_799 = arith.shli %gather3A_714, %shift_left3A_798 : vector<16xi32>
        %bitcast3A_800 = vector.bitcast %shift_left3A_799 : vector<16xi32> to vector<16xf32>
        %mul3A_801 = arith.mulf %get3A_734, %bitcast3A_796 : vector<16xf32>
        %add3A_802 = arith.addf %mul3A_801, %bitcast3A_800 : vector<16xf32>
        %swap3A_803 = arith.index_cast %rem3A_246 : i32 to index
        %swap3A_804 = arith.index_cast %add3A_313 : i32 to index
        %swap3A_805 = arith.constant 304 : index
        %swap3A_806 = tpu.vector_load %arg9[%swap3A_803, %swap3A_804, %swap3A_805] {strides = array<i32>} : memref<4x8x512xf32, #tpu.memory_space<vmem>>, vector<16xf32>,
        tpu.vector_store %arg9[%swap3A_803, %swap3A_804, %swap3A_805], %add3A_802 {strides = array<i32>} : memref<4x8x512xf32, #tpu.memory_space<vmem>>, vector<16xf32>,
        %and3A_807 = arith.constant -65536 : i32
        %and3A_808 = vector.broadcast %and3A_807 : i32 to vector<16xi32>
        %and3A_809 = arith.andi %gather3A_715, %and3A_808 : vector<16xi32>
        %bitcast3A_810 = vector.bitcast %and3A_809 : vector<16xi32> to vector<16xf32>
        %shift_left3A_811 = arith.constant 16 : i32
        %shift_left3A_812 = vector.broadcast %shift_left3A_811 : i32 to vector<16xi32>
        %shift_left3A_813 = arith.shli %gather3A_715, %shift_left3A_812 : vector<16xi32>
        %bitcast3A_814 = vector.bitcast %shift_left3A_813 : vector<16xi32> to vector<16xf32>
        %mul3A_815 = arith.mulf %get3A_738, %bitcast3A_810 : vector<16xf32>
        %add3A_816 = arith.addf %mul3A_815, %bitcast3A_814 : vector<16xf32>
        %swap3A_817 = arith.index_cast %rem3A_246 : i32 to index
        %swap3A_818 = arith.index_cast %add3A_313 : i32 to index
        %swap3A_819 = arith.constant 320 : index
        %swap3A_820 = tpu.vector_load %arg9[%swap3A_817, %swap3A_818, %swap3A_819] {strides = array<i32>} : memref<4x8x512xf32, #tpu.memory_space<vmem>>, vector<16xf32>,
        tpu.vector_store %arg9[%swap3A_817, %swap3A_818, %swap3A_819], %add3A_816 {strides = array<i32>} : memref<4x8x512xf32, #tpu.memory_space<vmem>>, vector<16xf32>,
        %and3A_821 = arith.constant -65536 : i32
        %and3A_822 = vector.broadcast %and3A_821 : i32 to vector<16xi32>
        %and3A_823 = arith.andi %gather3A_716, %and3A_822 : vector<16xi32>
        %bitcast3A_824 = vector.bitcast %and3A_823 : vector<16xi32> to vector<16xf32>
        %shift_left3A_825 = arith.constant 16 : i32
        %shift_left3A_826 = vector.broadcast %shift_left3A_825 : i32 to vector<16xi32>
        %shift_left3A_827 = arith.shli %gather3A_716, %shift_left3A_826 : vector<16xi32>
        %bitcast3A_828 = vector.bitcast %shift_left3A_827 : vector<16xi32> to vector<16xf32>
        %mul3A_829 = arith.mulf %get3A_742, %bitcast3A_824 : vector<16xf32>
        %add3A_830 = arith.addf %mul3A_829, %bitcast3A_828 : vector<16xf32>
        %swap3A_831 = arith.index_cast %rem3A_246 : i32 to index
        %swap3A_832 = arith.index_cast %add3A_313 : i32 to index
        %swap3A_833 = arith.constant 336 : index
        %swap3A_834 = tpu.vector_load %arg9[%swap3A_831, %swap3A_832, %swap3A_833] {strides = array<i32>} : memref<4x8x512xf32, #tpu.memory_space<vmem>>, vector<16xf32>,
        tpu.vector_store %arg9[%swap3A_831, %swap3A_832, %swap3A_833], %add3A_830 {strides = array<i32>} : memref<4x8x512xf32, #tpu.memory_space<vmem>>, vector<16xf32>,
        %and3A_835 = arith.constant -65536 : i32
        %and3A_836 = vector.broadcast %and3A_835 : i32 to vector<16xi32>
        %and3A_837 = arith.andi %gather3A_717, %and3A_836 : vector<16xi32>
        %bitcast3A_838 = vector.bitcast %and3A_837 : vector<16xi32> to vector<16xf32>
        %shift_left3A_839 = arith.constant 16 : i32
        %shift_left3A_840 = vector.broadcast %shift_left3A_839 : i32 to vector<16xi32>
        %shift_left3A_841 = arith.shli %gather3A_717, %shift_left3A_840 : vector<16xi32>
        %bitcast3A_842 = vector.bitcast %shift_left3A_841 : vector<16xi32> to vector<16xf32>
        %mul3A_843 = arith.mulf %get3A_746, %bitcast3A_838 : vector<16xf32>
        %add3A_844 = arith.addf %mul3A_843, %bitcast3A_842 : vector<16xf32>
        %swap3A_845 = arith.index_cast %rem3A_246 : i32 to index
        %swap3A_846 = arith.index_cast %add3A_313 : i32 to index
        %swap3A_847 = arith.constant 352 : index
        %swap3A_848 = tpu.vector_load %arg9[%swap3A_845, %swap3A_846, %swap3A_847] {strides = array<i32>} : memref<4x8x512xf32, #tpu.memory_space<vmem>>, vector<16xf32>,
        tpu.vector_store %arg9[%swap3A_845, %swap3A_846, %swap3A_847], %add3A_844 {strides = array<i32>} : memref<4x8x512xf32, #tpu.memory_space<vmem>>, vector<16xf32>,
        %and3A_849 = arith.constant -65536 : i32
        %and3A_850 = vector.broadcast %and3A_849 : i32 to vector<16xi32>
        %and3A_851 = arith.andi %gather3A_718, %and3A_850 : vector<16xi32>
        %bitcast3A_852 = vector.bitcast %and3A_851 : vector<16xi32> to vector<16xf32>
        %shift_left3A_853 = arith.constant 16 : i32
        %shift_left3A_854 = vector.broadcast %shift_left3A_853 : i32 to vector<16xi32>
        %shift_left3A_855 = arith.shli %gather3A_718, %shift_left3A_854 : vector<16xi32>
        %bitcast3A_856 = vector.bitcast %shift_left3A_855 : vector<16xi32> to vector<16xf32>
        %mul3A_857 = arith.mulf %get3A_750, %bitcast3A_852 : vector<16xf32>
        %add3A_858 = arith.addf %mul3A_857, %bitcast3A_856 : vector<16xf32>
        %swap3A_859 = arith.index_cast %rem3A_246 : i32 to index
        %swap3A_860 = arith.index_cast %add3A_313 : i32 to index
        %swap3A_861 = arith.constant 368 : index
        %swap3A_862 = tpu.vector_load %arg9[%swap3A_859, %swap3A_860, %swap3A_861] {strides = array<i32>} : memref<4x8x512xf32, #tpu.memory_space<vmem>>, vector<16xf32>,
        tpu.vector_store %arg9[%swap3A_859, %swap3A_860, %swap3A_861], %add3A_858 {strides = array<i32>} : memref<4x8x512xf32, #tpu.memory_space<vmem>>, vector<16xf32>,
        %get3A_863 = arith.index_cast %rem3A_246 : i32 to index
        %get3A_864 = arith.index_cast %add3A_313 : i32 to index
        %get3A_865 = arith.constant 384 : index
        %get3A_866 = tpu.vector_load %arg8[%get3A_863, %get3A_864, %get3A_865] {strides = array<i32>} : memref<4x8x512xi32, #tpu.memory_space<vmem>>, vector<16xi32>,
        %get3A_867 = arith.index_cast %rem3A_246 : i32 to index
        %get3A_868 = arith.index_cast %add3A_313 : i32 to index
        %get3A_869 = arith.constant 400 : index
        %get3A_870 = tpu.vector_load %arg8[%get3A_867, %get3A_868, %get3A_869] {strides = array<i32>} : memref<4x8x512xi32, #tpu.memory_space<vmem>>, vector<16xi32>,
        %get3A_871 = arith.index_cast %rem3A_246 : i32 to index
        %get3A_872 = arith.index_cast %add3A_313 : i32 to index
        %get3A_873 = arith.constant 416 : index
        %get3A_874 = tpu.vector_load %arg8[%get3A_871, %get3A_872, %get3A_873] {strides = array<i32>} : memref<4x8x512xi32, #tpu.memory_space<vmem>>, vector<16xi32>,
        %get3A_875 = arith.index_cast %rem3A_246 : i32 to index
        %get3A_876 = arith.index_cast %add3A_313 : i32 to index
        %get3A_877 = arith.constant 432 : index
        %get3A_878 = tpu.vector_load %arg8[%get3A_875, %get3A_876, %get3A_877] {strides = array<i32>} : memref<4x8x512xi32, #tpu.memory_space<vmem>>, vector<16xi32>,
        %get3A_879 = arith.index_cast %rem3A_246 : i32 to index
        %get3A_880 = arith.index_cast %add3A_313 : i32 to index
        %get3A_881 = arith.constant 448 : index
        %get3A_882 = tpu.vector_load %arg8[%get3A_879, %get3A_880, %get3A_881] {strides = array<i32>} : memref<4x8x512xi32, #tpu.memory_space<vmem>>, vector<16xi32>,
        %get3A_883 = arith.index_cast %rem3A_246 : i32 to index
        %get3A_884 = arith.index_cast %add3A_313 : i32 to index
        %get3A_885 = arith.constant 464 : index
        %get3A_886 = tpu.vector_load %arg8[%get3A_883, %get3A_884, %get3A_885] {strides = array<i32>} : memref<4x8x512xi32, #tpu.memory_space<vmem>>, vector<16xi32>,
        %get3A_887 = arith.index_cast %rem3A_246 : i32 to index
        %get3A_888 = arith.index_cast %add3A_313 : i32 to index
        %get3A_889 = arith.constant 480 : index
        %get3A_890 = tpu.vector_load %arg8[%get3A_887, %get3A_888, %get3A_889] {strides = array<i32>} : memref<4x8x512xi32, #tpu.memory_space<vmem>>, vector<16xi32>,
        %get3A_891 = arith.index_cast %rem3A_246 : i32 to index
        %get3A_892 = arith.index_cast %add3A_313 : i32 to index
        %get3A_893 = arith.constant 496 : index
        %get3A_894 = tpu.vector_load %arg8[%get3A_891, %get3A_892, %get3A_893] {strides = array<i32>} : memref<4x8x512xi32, #tpu.memory_space<vmem>>, vector<16xi32>,
        %gather3A_895 = tpu.vector_load_idx %arg12[%get3A_866] : memref<48xi32, #tpu.memory_space<vmem>>[vector<16xi32>], vector<16xi32>,
        %gather3A_896 = tpu.vector_load_idx %arg12[%get3A_870] : memref<48xi32, #tpu.memory_space<vmem>>[vector<16xi32>], vector<16xi32>,
        %gather3A_897 = tpu.vector_load_idx %arg12[%get3A_874] : memref<48xi32, #tpu.memory_space<vmem>>[vector<16xi32>], vector<16xi32>,
        %gather3A_898 = tpu.vector_load_idx %arg12[%get3A_878] : memref<48xi32, #tpu.memory_space<vmem>>[vector<16xi32>], vector<16xi32>,
        %gather3A_899 = tpu.vector_load_idx %arg12[%get3A_882] : memref<48xi32, #tpu.memory_space<vmem>>[vector<16xi32>], vector<16xi32>,
        %gather3A_900 = tpu.vector_load_idx %arg12[%get3A_886] : memref<48xi32, #tpu.memory_space<vmem>>[vector<16xi32>], vector<16xi32>,
        %gather3A_901 = tpu.vector_load_idx %arg12[%get3A_890] : memref<48xi32, #tpu.memory_space<vmem>>[vector<16xi32>], vector<16xi32>,
        %gather3A_902 = tpu.vector_load_idx %arg12[%get3A_894] : memref<48xi32, #tpu.memory_space<vmem>>[vector<16xi32>], vector<16xi32>,
        %get3A_903 = arith.index_cast %rem3A_246 : i32 to index
        %get3A_904 = arith.index_cast %add3A_313 : i32 to index
        %get3A_905 = arith.constant 384 : index
        %get3A_906 = tpu.vector_load %arg7[%get3A_903, %get3A_904, %get3A_905] {strides = array<i32>} : memref<4x8x512xf32, #tpu.memory_space<vmem>>, vector<16xf32>,
        %get3A_907 = arith.index_cast %rem3A_246 : i32 to index
        %get3A_908 = arith.index_cast %add3A_313 : i32 to index
        %get3A_909 = arith.constant 400 : index
        %get3A_910 = tpu.vector_load %arg7[%get3A_907, %get3A_908, %get3A_909] {strides = array<i32>} : memref<4x8x512xf32, #tpu.memory_space<vmem>>, vector<16xf32>,
        %get3A_911 = arith.index_cast %rem3A_246 : i32 to index
        %get3A_912 = arith.index_cast %add3A_313 : i32 to index
        %get3A_913 = arith.constant 416 : index
        %get3A_914 = tpu.vector_load %arg7[%get3A_911, %get3A_912, %get3A_913] {strides = array<i32>} : memref<4x8x512xf32, #tpu.memory_space<vmem>>, vector<16xf32>,
        %get3A_915 = arith.index_cast %rem3A_246 : i32 to index
        %get3A_916 = arith.index_cast %add3A_313 : i32 to index
        %get3A_917 = arith.constant 432 : index
        %get3A_918 = tpu.vector_load %arg7[%get3A_915, %get3A_916, %get3A_917] {strides = array<i32>} : memref<4x8x512xf32, #tpu.memory_space<vmem>>, vector<16xf32>,
        %get3A_919 = arith.index_cast %rem3A_246 : i32 to index
        %get3A_920 = arith.index_cast %add3A_313 : i32 to index
        %get3A_921 = arith.constant 448 : index
        %get3A_922 = tpu.vector_load %arg7[%get3A_919, %get3A_920, %get3A_921] {strides = array<i32>} : memref<4x8x512xf32, #tpu.memory_space<vmem>>, vector<16xf32>,
        %get3A_923 = arith.index_cast %rem3A_246 : i32 to index
        %get3A_924 = arith.index_cast %add3A_313 : i32 to index
        %get3A_925 = arith.constant 464 : index
        %get3A_926 = tpu.vector_load %arg7[%get3A_923, %get3A_924, %get3A_925] {strides = array<i32>} : memref<4x8x512xf32, #tpu.memory_space<vmem>>, vector<16xf32>,
        %get3A_927 = arith.index_cast %rem3A_246 : i32 to index
        %get3A_928 = arith.index_cast %add3A_313 : i32 to index
        %get3A_929 = arith.constant 480 : index
        %get3A_930 = tpu.vector_load %arg7[%get3A_927, %get3A_928, %get3A_929] {strides = array<i32>} : memref<4x8x512xf32, #tpu.memory_space<vmem>>, vector<16xf32>,
        %get3A_931 = arith.index_cast %rem3A_246 : i32 to index
        %get3A_932 = arith.index_cast %add3A_313 : i32 to index
        %get3A_933 = arith.constant 496 : index
        %get3A_934 = tpu.vector_load %arg7[%get3A_931, %get3A_932, %get3A_933] {strides = array<i32>} : memref<4x8x512xf32, #tpu.memory_space<vmem>>, vector<16xf32>,
        %and3A_935 = arith.constant -65536 : i32
        %and3A_936 = vector.broadcast %and3A_935 : i32 to vector<16xi32>
        %and3A_937 = arith.andi %gather3A_895, %and3A_936 : vector<16xi32>
        %bitcast3A_938 = vector.bitcast %and3A_937 : vector<16xi32> to vector<16xf32>
        %shift_left3A_939 = arith.constant 16 : i32
        %shift_left3A_940 = vector.broadcast %shift_left3A_939 : i32 to vector<16xi32>
        %shift_left3A_941 = arith.shli %gather3A_895, %shift_left3A_940 : vector<16xi32>
        %bitcast3A_942 = vector.bitcast %shift_left3A_941 : vector<16xi32> to vector<16xf32>
        %mul3A_943 = arith.mulf %get3A_906, %bitcast3A_938 : vector<16xf32>
        %add3A_944 = arith.addf %mul3A_943, %bitcast3A_942 : vector<16xf32>
        %swap3A_945 = arith.index_cast %rem3A_246 : i32 to index
        %swap3A_946 = arith.index_cast %add3A_313 : i32 to index
        %swap3A_947 = arith.constant 384 : index
        %swap3A_948 = tpu.vector_load %arg9[%swap3A_945, %swap3A_946, %swap3A_947] {strides = array<i32>} : memref<4x8x512xf32, #tpu.memory_space<vmem>>, vector<16xf32>,
        tpu.vector_store %arg9[%swap3A_945, %swap3A_946, %swap3A_947], %add3A_944 {strides = array<i32>} : memref<4x8x512xf32, #tpu.memory_space<vmem>>, vector<16xf32>,
        %and3A_949 = arith.constant -65536 : i32
        %and3A_950 = vector.broadcast %and3A_949 : i32 to vector<16xi32>
        %and3A_951 = arith.andi %gather3A_896, %and3A_950 : vector<16xi32>
        %bitcast3A_952 = vector.bitcast %and3A_951 : vector<16xi32> to vector<16xf32>
        %shift_left3A_953 = arith.constant 16 : i32
        %shift_left3A_954 = vector.broadcast %shift_left3A_953 : i32 to vector<16xi32>
        %shift_left3A_955 = arith.shli %gather3A_896, %shift_left3A_954 : vector<16xi32>
        %bitcast3A_956 = vector.bitcast %shift_left3A_955 : vector<16xi32> to vector<16xf32>
        %mul3A_957 = arith.mulf %get3A_910, %bitcast3A_952 : vector<16xf32>
        %add3A_958 = arith.addf %mul3A_957, %bitcast3A_956 : vector<16xf32>
        %swap3A_959 = arith.index_cast %rem3A_246 : i32 to index
        %swap3A_960 = arith.index_cast %add3A_313 : i32 to index
        %swap3A_961 = arith.constant 400 : index
        %swap3A_962 = tpu.vector_load %arg9[%swap3A_959, %swap3A_960, %swap3A_961] {strides = array<i32>} : memref<4x8x512xf32, #tpu.memory_space<vmem>>, vector<16xf32>,
        tpu.vector_store %arg9[%swap3A_959, %swap3A_960, %swap3A_961], %add3A_958 {strides = array<i32>} : memref<4x8x512xf32, #tpu.memory_space<vmem>>, vector<16xf32>,
        %and3A_963 = arith.constant -65536 : i32
        %and3A_964 = vector.broadcast %and3A_963 : i32 to vector<16xi32>
        %and3A_965 = arith.andi %gather3A_897, %and3A_964 : vector<16xi32>
        %bitcast3A_966 = vector.bitcast %and3A_965 : vector<16xi32> to vector<16xf32>
        %shift_left3A_967 = arith.constant 16 : i32
        %shift_left3A_968 = vector.broadcast %shift_left3A_967 : i32 to vector<16xi32>
        %shift_left3A_969 = arith.shli %gather3A_897, %shift_left3A_968 : vector<16xi32>
        %bitcast3A_970 = vector.bitcast %shift_left3A_969 : vector<16xi32> to vector<16xf32>
        %mul3A_971 = arith.mulf %get3A_914, %bitcast3A_966 : vector<16xf32>
        %add3A_972 = arith.addf %mul3A_971, %bitcast3A_970 : vector<16xf32>
        %swap3A_973 = arith.index_cast %rem3A_246 : i32 to index
        %swap3A_974 = arith.index_cast %add3A_313 : i32 to index
        %swap3A_975 = arith.constant 416 : index
        %swap3A_976 = tpu.vector_load %arg9[%swap3A_973, %swap3A_974, %swap3A_975] {strides = array<i32>} : memref<4x8x512xf32, #tpu.memory_space<vmem>>, vector<16xf32>,
        tpu.vector_store %arg9[%swap3A_973, %swap3A_974, %swap3A_975], %add3A_972 {strides = array<i32>} : memref<4x8x512xf32, #tpu.memory_space<vmem>>, vector<16xf32>,
        %and3A_977 = arith.constant -65536 : i32
        %and3A_978 = vector.broadcast %and3A_977 : i32 to vector<16xi32>
        %and3A_979 = arith.andi %gather3A_898, %and3A_978 : vector<16xi32>
        %bitcast3A_980 = vector.bitcast %and3A_979 : vector<16xi32> to vector<16xf32>
        %shift_left3A_981 = arith.constant 16 : i32
        %shift_left3A_982 = vector.broadcast %shift_left3A_981 : i32 to vector<16xi32>
        %shift_left3A_983 = arith.shli %gather3A_898, %shift_left3A_982 : vector<16xi32>
        %bitcast3A_984 = vector.bitcast %shift_left3A_983 : vector<16xi32> to vector<16xf32>
        %mul3A_985 = arith.mulf %get3A_918, %bitcast3A_980 : vector<16xf32>
        %add3A_986 = arith.addf %mul3A_985, %bitcast3A_984 : vector<16xf32>
        %swap3A_987 = arith.index_cast %rem3A_246 : i32 to index
        %swap3A_988 = arith.index_cast %add3A_313 : i32 to index
        %swap3A_989 = arith.constant 432 : index
        %swap3A_990 = tpu.vector_load %arg9[%swap3A_987, %swap3A_988, %swap3A_989] {strides = array<i32>} : memref<4x8x512xf32, #tpu.memory_space<vmem>>, vector<16xf32>,
        tpu.vector_store %arg9[%swap3A_987, %swap3A_988, %swap3A_989], %add3A_986 {strides = array<i32>} : memref<4x8x512xf32, #tpu.memory_space<vmem>>, vector<16xf32>,
        %and3A_991 = arith.constant -65536 : i32
        %and3A_992 = vector.broadcast %and3A_991 : i32 to vector<16xi32>
        %and3A_993 = arith.andi %gather3A_899, %and3A_992 : vector<16xi32>
        %bitcast3A_994 = vector.bitcast %and3A_993 : vector<16xi32> to vector<16xf32>
        %shift_left3A_995 = arith.constant 16 : i32
        %shift_left3A_996 = vector.broadcast %shift_left3A_995 : i32 to vector<16xi32>
        %shift_left3A_997 = arith.shli %gather3A_899, %shift_left3A_996 : vector<16xi32>
        %bitcast3A_998 = vector.bitcast %shift_left3A_997 : vector<16xi32> to vector<16xf32>
        %mul3A_999 = arith.mulf %get3A_922, %bitcast3A_994 : vector<16xf32>
        %add3A_1000 = arith.addf %mul3A_999, %bitcast3A_998 : vector<16xf32>
        %swap3A_1001 = arith.index_cast %rem3A_246 : i32 to index
        %swap3A_1002 = arith.index_cast %add3A_313 : i32 to index
        %swap3A_1003 = arith.constant 448 : index
        %swap3A_1004 = tpu.vector_load %arg9[%swap3A_1001, %swap3A_1002, %swap3A_1003] {strides = array<i32>} : memref<4x8x512xf32, #tpu.memory_space<vmem>>, vector<16xf32>,
        tpu.vector_store %arg9[%swap3A_1001, %swap3A_1002, %swap3A_1003], %add3A_1000 {strides = array<i32>} : memref<4x8x512xf32, #tpu.memory_space<vmem>>, vector<16xf32>,
        %and3A_1005 = arith.constant -65536 : i32
        %and3A_1006 = vector.broadcast %and3A_1005 : i32 to vector<16xi32>
        %and3A_1007 = arith.andi %gather3A_900, %and3A_1006 : vector<16xi32>
        %bitcast3A_1008 = vector.bitcast %and3A_1007 : vector<16xi32> to vector<16xf32>
        %shift_left3A_1009 = arith.constant 16 : i32
        %shift_left3A_1010 = vector.broadcast %shift_left3A_1009 : i32 to vector<16xi32>
        %shift_left3A_1011 = arith.shli %gather3A_900, %shift_left3A_1010 : vector<16xi32>
        %bitcast3A_1012 = vector.bitcast %shift_left3A_1011 : vector<16xi32> to vector<16xf32>
        %mul3A_1013 = arith.mulf %get3A_926, %bitcast3A_1008 : vector<16xf32>
        %add3A_1014 = arith.addf %mul3A_1013, %bitcast3A_1012 : vector<16xf32>
        %swap3A_1015 = arith.index_cast %rem3A_246 : i32 to index
        %swap3A_1016 = arith.index_cast %add3A_313 : i32 to index
        %swap3A_1017 = arith.constant 464 : index
        %swap3A_1018 = tpu.vector_load %arg9[%swap3A_1015, %swap3A_1016, %swap3A_1017] {strides = array<i32>} : memref<4x8x512xf32, #tpu.memory_space<vmem>>, vector<16xf32>,
        tpu.vector_store %arg9[%swap3A_1015, %swap3A_1016, %swap3A_1017], %add3A_1014 {strides = array<i32>} : memref<4x8x512xf32, #tpu.memory_space<vmem>>, vector<16xf32>,
        %and3A_1019 = arith.constant -65536 : i32
        %and3A_1020 = vector.broadcast %and3A_1019 : i32 to vector<16xi32>
        %and3A_1021 = arith.andi %gather3A_901, %and3A_1020 : vector<16xi32>
        %bitcast3A_1022 = vector.bitcast %and3A_1021 : vector<16xi32> to vector<16xf32>
        %shift_left3A_1023 = arith.constant 16 : i32
        %shift_left3A_1024 = vector.broadcast %shift_left3A_1023 : i32 to vector<16xi32>
        %shift_left3A_1025 = arith.shli %gather3A_901, %shift_left3A_1024 : vector<16xi32>
        %bitcast3A_1026 = vector.bitcast %shift_left3A_1025 : vector<16xi32> to vector<16xf32>
        %mul3A_1027 = arith.mulf %get3A_930, %bitcast3A_1022 : vector<16xf32>
        %add3A_1028 = arith.addf %mul3A_1027, %bitcast3A_1026 : vector<16xf32>
        %swap3A_1029 = arith.index_cast %rem3A_246 : i32 to index
        %swap3A_1030 = arith.index_cast %add3A_313 : i32 to index
        %swap3A_1031 = arith.constant 480 : index
        %swap3A_1032 = tpu.vector_load %arg9[%swap3A_1029, %swap3A_1030, %swap3A_1031] {strides = array<i32>} : memref<4x8x512xf32, #tpu.memory_space<vmem>>, vector<16xf32>,
        tpu.vector_store %arg9[%swap3A_1029, %swap3A_1030, %swap3A_1031], %add3A_1028 {strides = array<i32>} : memref<4x8x512xf32, #tpu.memory_space<vmem>>, vector<16xf32>,
        %and3A_1033 = arith.constant -65536 : i32
        %and3A_1034 = vector.broadcast %and3A_1033 : i32 to vector<16xi32>
        %and3A_1035 = arith.andi %gather3A_902, %and3A_1034 : vector<16xi32>
        %bitcast3A_1036 = vector.bitcast %and3A_1035 : vector<16xi32> to vector<16xf32>
        %shift_left3A_1037 = arith.constant 16 : i32
        %shift_left3A_1038 = vector.broadcast %shift_left3A_1037 : i32 to vector<16xi32>
        %shift_left3A_1039 = arith.shli %gather3A_902, %shift_left3A_1038 : vector<16xi32>
        %bitcast3A_1040 = vector.bitcast %shift_left3A_1039 : vector<16xi32> to vector<16xf32>
        %mul3A_1041 = arith.mulf %get3A_934, %bitcast3A_1036 : vector<16xf32>
        %add3A_1042 = arith.addf %mul3A_1041, %bitcast3A_1040 : vector<16xf32>
        %swap3A_1043 = arith.index_cast %rem3A_246 : i32 to index
        %swap3A_1044 = arith.index_cast %add3A_313 : i32 to index
        %swap3A_1045 = arith.constant 496 : index
        %swap3A_1046 = tpu.vector_load %arg9[%swap3A_1043, %swap3A_1044, %swap3A_1045] {strides = array<i32>} : memref<4x8x512xf32, #tpu.memory_space<vmem>>, vector<16xf32>,
        tpu.vector_store %arg9[%swap3A_1043, %swap3A_1044, %swap3A_1045], %add3A_1042 {strides = array<i32>} : memref<4x8x512xf32, #tpu.memory_space<vmem>>, vector<16xf32>,
      }
      %scan3A_293 = arith.constant 8 : i32
      %mul3A_294 = arith.constant 8 : i32
      %mul3A_295 = arith.muli %add3A_244, %mul3A_294 : i32
      %dma_start3A_296 = arith.constant 2 : i32
      %dma_start3A_297 = arith.constant 0 : i32
      %dma_start3A_298 = arith.constant 0 : i32
      %dma_start3A_299 = tpu.memref_slice %arg9[%rem3A_246, %dma_start3A_297, %dma_start3A_298] : memref<4x8x512xf32, #tpu.memory_space<vmem>> -> memref<1x8x512xf32, #tpu.memory_space<vmem>>
      %dma_start3A_300 = tpu.memref_squeeze %dma_start3A_299 : memref<1x8x512xf32, #tpu.memory_space<vmem>> -> memref<8x512xf32, #tpu.memory_space<vmem>>
      %dma_start3A_301 = tpu.memref_slice %arg6[%mul3A_295, %mul3A_2] : memref<200x16384xf32, #tpu.memory_space<hbm>> -> memref<8x512xf32, #tpu.memory_space<hbm>>
      %dma_start3A_302 = tpu.memref_slice %arg13[%rem3A_246, %dma_start3A_296] : memref<4x3x!tpu.dma_semaphore, #tpu.memory_space<semaphore_mem>> -> memref<1x1x!tpu.dma_semaphore, #tpu.memory_space<semaphore_mem>>
      %dma_start3A_303 = tpu.memref_squeeze %dma_start3A_302 : memref<1x1x!tpu.dma_semaphore, #tpu.memory_space<semaphore_mem>> -> memref<!tpu.dma_semaphore, #tpu.memory_space<semaphore_mem>>
      %dma_start3A_304 = tpu.memref_slice %arg6[%mul3A_295, %mul3A_2] : memref<200x16384xf32, #tpu.memory_space<hbm>> -> memref<8x512xf32, #tpu.memory_space<hbm>>
      %dma_start3A_305 = arith.constant 0 : i32
      %dma_start3A_306 = arith.constant 0 : i32
      %dma_start3A_307 = tpu.memref_slice %arg9[%rem3A_246, %dma_start3A_305, %dma_start3A_306] : memref<4x8x512xf32, #tpu.memory_space<vmem>> -> memref<1x8x512xf32, #tpu.memory_space<vmem>>
      %dma_start3A_308 = tpu.memref_squeeze %dma_start3A_307 : memref<1x8x512xf32, #tpu.memory_space<vmem>> -> memref<8x512xf32, #tpu.memory_space<vmem>>
      tpu.enqueue_dma source(%dma_start3A_308 : memref<8x512xf32, #tpu.memory_space<vmem>>) target(%dma_start3A_304 : memref<8x512xf32, #tpu.memory_space<hbm>>) target_semaphore(%dma_start3A_303 : memref<!tpu.dma_semaphore, #tpu.memory_space<semaphore_mem>>)
    }
    %scan3A_161 = arith.constant 25 : i32
    %rem3A = arith.constant 21 : i32
    %rem3A_162 = arith.constant 4 : i32
    %rem3A_163 = arith.remsi %rem3A, %rem3A_162 : i32
    %dma_wait3A = arith.constant 2 : i32
    %dma_wait3A_164 = arith.constant 0 : i32
    %dma_wait3A_165 = arith.constant 0 : i32
    %dma_wait3A_166 = tpu.memref_slice %arg9[%rem3A_163, %dma_wait3A_164, %dma_wait3A_165] : memref<4x8x512xf32, #tpu.memory_space<vmem>> -> memref<1x8x512xf32, #tpu.memory_space<vmem>>
    %dma_wait3A_167 = tpu.memref_squeeze %dma_wait3A_166 : memref<1x8x512xf32, #tpu.memory_space<vmem>> -> memref<8x512xf32, #tpu.memory_space<vmem>>
    %dma_wait3A_168 = arith.constant 0 : i32
    %dma_wait3A_169 = arith.constant 0 : i32
    %dma_wait3A_170 = tpu.memref_slice %arg6[%dma_wait3A_168, %dma_wait3A_169] : memref<200x16384xf32, #tpu.memory_space<hbm>> -> memref<8x512xf32, #tpu.memory_space<hbm>>
    %dma_wait3A_171 = tpu.memref_slice %arg13[%rem3A_163, %dma_wait3A] : memref<4x3x!tpu.dma_semaphore, #tpu.memory_space<semaphore_mem>> -> memref<1x1x!tpu.dma_semaphore, #tpu.memory_space<semaphore_mem>>
    %dma_wait3A_172 = tpu.memref_squeeze %dma_wait3A_171 : memref<1x1x!tpu.dma_semaphore, #tpu.memory_space<semaphore_mem>> -> memref<!tpu.dma_semaphore, #tpu.memory_space<semaphore_mem>>
    %dma_wait3A_173 = arith.constant 0 : i32
    %dma_wait3A_174 = arith.constant 0 : i32
    %dma_wait3A_175 = tpu.memref_slice %arg6[%dma_wait3A_173, %dma_wait3A_174] : memref<200x16384xf32, #tpu.memory_space<hbm>> -> memref<8x512xf32, #tpu.memory_space<hbm>>
    %dma_wait3A_176 = arith.constant 0 : i32
    %dma_wait3A_177 = arith.constant 0 : i32
    %dma_wait3A_178 = tpu.memref_slice %arg9[%rem3A_163, %dma_wait3A_176, %dma_wait3A_177] : memref<4x8x512xf32, #tpu.memory_space<vmem>> -> memref<1x8x512xf32, #tpu.memory_space<vmem>>
    %dma_wait3A_179 = tpu.memref_squeeze %dma_wait3A_178 : memref<1x8x512xf32, #tpu.memory_space<vmem>> -> memref<8x512xf32, #tpu.memory_space<vmem>>
    tpu.wait_dma2 semaphore(%dma_wait3A_172 : memref<!tpu.dma_semaphore, #tpu.memory_space<semaphore_mem>>) src(%dma_wait3A_179 : memref<8x512xf32, #tpu.memory_space<vmem>>) dst(%dma_wait3A_175 : memref<8x512xf32, #tpu.memory_space<hbm>>)
    %rem3A_180 = arith.constant 22 : i32
    %rem3A_181 = arith.constant 4 : i32
    %rem3A_182 = arith.remsi %rem3A_180, %rem3A_181 : i32
    %dma_wait3A_183 = arith.constant 2 : i32
    %dma_wait3A_184 = arith.constant 0 : i32
    %dma_wait3A_185 = arith.constant 0 : i32
    %dma_wait3A_186 = tpu.memref_slice %arg9[%rem3A_182, %dma_wait3A_184, %dma_wait3A_185] : memref<4x8x512xf32, #tpu.memory_space<vmem>> -> memref<1x8x512xf32, #tpu.memory_space<vmem>>
    %dma_wait3A_187 = tpu.memref_squeeze %dma_wait3A_186 : memref<1x8x512xf32, #tpu.memory_space<vmem>> -> memref<8x512xf32, #tpu.memory_space<vmem>>
    %dma_wait3A_188 = arith.constant 0 : i32
    %dma_wait3A_189 = arith.constant 0 : i32
    %dma_wait3A_190 = tpu.memref_slice %arg6[%dma_wait3A_188, %dma_wait3A_189] : memref<200x16384xf32, #tpu.memory_space<hbm>> -> memref<8x512xf32, #tpu.memory_space<hbm>>
    %dma_wait3A_191 = tpu.memref_slice %arg13[%rem3A_182, %dma_wait3A_183] : memref<4x3x!tpu.dma_semaphore, #tpu.memory_space<semaphore_mem>> -> memref<1x1x!tpu.dma_semaphore, #tpu.memory_space<semaphore_mem>>
    %dma_wait3A_192 = tpu.memref_squeeze %dma_wait3A_191 : memref<1x1x!tpu.dma_semaphore, #tpu.memory_space<semaphore_mem>> -> memref<!tpu.dma_semaphore, #tpu.memory_space<semaphore_mem>>
    %dma_wait3A_193 = arith.constant 0 : i32
    %dma_wait3A_194 = arith.constant 0 : i32
    %dma_wait3A_195 = tpu.memref_slice %arg6[%dma_wait3A_193, %dma_wait3A_194] : memref<200x16384xf32, #tpu.memory_space<hbm>> -> memref<8x512xf32, #tpu.memory_space<hbm>>
    %dma_wait3A_196 = arith.constant 0 : i32
    %dma_wait3A_197 = arith.constant 0 : i32
    %dma_wait3A_198 = tpu.memref_slice %arg9[%rem3A_182, %dma_wait3A_196, %dma_wait3A_197] : memref<4x8x512xf32, #tpu.memory_space<vmem>> -> memref<1x8x512xf32, #tpu.memory_space<vmem>>
    %dma_wait3A_199 = tpu.memref_squeeze %dma_wait3A_198 : memref<1x8x512xf32, #tpu.memory_space<vmem>> -> memref<8x512xf32, #tpu.memory_space<vmem>>
    tpu.wait_dma2 semaphore(%dma_wait3A_192 : memref<!tpu.dma_semaphore, #tpu.memory_space<semaphore_mem>>) src(%dma_wait3A_199 : memref<8x512xf32, #tpu.memory_space<vmem>>) dst(%dma_wait3A_195 : memref<8x512xf32, #tpu.memory_space<hbm>>)
    %rem3A_200 = arith.constant 23 : i32
    %rem3A_201 = arith.constant 4 : i32
    %rem3A_202 = arith.remsi %rem3A_200, %rem3A_201 : i32
    %dma_wait3A_203 = arith.constant 2 : i32
    %dma_wait3A_204 = arith.constant 0 : i32
    %dma_wait3A_205 = arith.constant 0 : i32
    %dma_wait3A_206 = tpu.memref_slice %arg9[%rem3A_202, %dma_wait3A_204, %dma_wait3A_205] : memref<4x8x512xf32, #tpu.memory_space<vmem>> -> memref<1x8x512xf32, #tpu.memory_space<vmem>>
    %dma_wait3A_207 = tpu.memref_squeeze %dma_wait3A_206 : memref<1x8x512xf32, #tpu.memory_space<vmem>> -> memref<8x512xf32, #tpu.memory_space<vmem>>
    %dma_wait3A_208 = arith.constant 0 : i32
    %dma_wait3A_209 = arith.constant 0 : i32
    %dma_wait3A_210 = tpu.memref_slice %arg6[%dma_wait3A_208, %dma_wait3A_209] : memref<200x16384xf32, #tpu.memory_space<hbm>> -> memref<8x512xf32, #tpu.memory_space<hbm>>
    %dma_wait3A_211 = tpu.memref_slice %arg13[%rem3A_202, %dma_wait3A_203] : memref<4x3x!tpu.dma_semaphore, #tpu.memory_space<semaphore_mem>> -> memref<1x1x!tpu.dma_semaphore, #tpu.memory_space<semaphore_mem>>
    %dma_wait3A_212 = tpu.memref_squeeze %dma_wait3A_211 : memref<1x1x!tpu.dma_semaphore, #tpu.memory_space<semaphore_mem>> -> memref<!tpu.dma_semaphore, #tpu.memory_space<semaphore_mem>>
    %dma_wait3A_213 = arith.constant 0 : i32
    %dma_wait3A_214 = arith.constant 0 : i32
    %dma_wait3A_215 = tpu.memref_slice %arg6[%dma_wait3A_213, %dma_wait3A_214] : memref<200x16384xf32, #tpu.memory_space<hbm>> -> memref<8x512xf32, #tpu.memory_space<hbm>>
    %dma_wait3A_216 = arith.constant 0 : i32
    %dma_wait3A_217 = arith.constant 0 : i32
    %dma_wait3A_218 = tpu.memref_slice %arg9[%rem3A_202, %dma_wait3A_216, %dma_wait3A_217] : memref<4x8x512xf32, #tpu.memory_space<vmem>> -> memref<1x8x512xf32, #tpu.memory_space<vmem>>
    %dma_wait3A_219 = tpu.memref_squeeze %dma_wait3A_218 : memref<1x8x512xf32, #tpu.memory_space<vmem>> -> memref<8x512xf32, #tpu.memory_space<vmem>>
    tpu.wait_dma2 semaphore(%dma_wait3A_212 : memref<!tpu.dma_semaphore, #tpu.memory_space<semaphore_mem>>) src(%dma_wait3A_219 : memref<8x512xf32, #tpu.memory_space<vmem>>) dst(%dma_wait3A_215 : memref<8x512xf32, #tpu.memory_space<hbm>>)
    %rem3A_220 = arith.constant 24 : i32
    %rem3A_221 = arith.constant 4 : i32
    %rem3A_222 = arith.remsi %rem3A_220, %rem3A_221 : i32
    %dma_wait3A_223 = arith.constant 2 : i32
    %dma_wait3A_224 = arith.constant 0 : i32
    %dma_wait3A_225 = arith.constant 0 : i32
    %dma_wait3A_226 = tpu.memref_slice %arg9[%rem3A_222, %dma_wait3A_224, %dma_wait3A_225] : memref<4x8x512xf32, #tpu.memory_space<vmem>> -> memref<1x8x512xf32, #tpu.memory_space<vmem>>
    %dma_wait3A_227 = tpu.memref_squeeze %dma_wait3A_226 : memref<1x8x512xf32, #tpu.memory_space<vmem>> -> memref<8x512xf32, #tpu.memory_space<vmem>>
    %dma_wait3A_228 = arith.constant 0 : i32
    %dma_wait3A_229 = arith.constant 0 : i32
    %dma_wait3A_230 = tpu.memref_slice %arg6[%dma_wait3A_228, %dma_wait3A_229] : memref<200x16384xf32, #tpu.memory_space<hbm>> -> memref<8x512xf32, #tpu.memory_space<hbm>>
    %dma_wait3A_231 = tpu.memref_slice %arg13[%rem3A_222, %dma_wait3A_223] : memref<4x3x!tpu.dma_semaphore, #tpu.memory_space<semaphore_mem>> -> memref<1x1x!tpu.dma_semaphore, #tpu.memory_space<semaphore_mem>>
    %dma_wait3A_232 = tpu.memref_squeeze %dma_wait3A_231 : memref<1x1x!tpu.dma_semaphore, #tpu.memory_space<semaphore_mem>> -> memref<!tpu.dma_semaphore, #tpu.memory_space<semaphore_mem>>
    %dma_wait3A_233 = arith.constant 0 : i32
    %dma_wait3A_234 = arith.constant 0 : i32
    %dma_wait3A_235 = tpu.memref_slice %arg6[%dma_wait3A_233, %dma_wait3A_234] : memref<200x16384xf32, #tpu.memory_space<hbm>> -> memref<8x512xf32, #tpu.memory_space<hbm>>
    %dma_wait3A_236 = arith.constant 0 : i32
    %dma_wait3A_237 = arith.constant 0 : i32
    %dma_wait3A_238 = tpu.memref_slice %arg9[%rem3A_222, %dma_wait3A_236, %dma_wait3A_237] : memref<4x8x512xf32, #tpu.memory_space<vmem>> -> memref<1x8x512xf32, #tpu.memory_space<vmem>>
    %dma_wait3A_239 = tpu.memref_squeeze %dma_wait3A_238 : memref<1x8x512xf32, #tpu.memory_space<vmem>> -> memref<8x512xf32, #tpu.memory_space<vmem>>
    tpu.wait_dma2 semaphore(%dma_wait3A_232 : memref<!tpu.dma_semaphore, #tpu.memory_space<semaphore_mem>>) src(%dma_wait3A_239 : memref<8x512xf32, #tpu.memory_space<vmem>>) dst(%dma_wait3A_235 : memref<8x512xf32, #tpu.memory_space<hbm>>)
    return
  }
}

</mosaic_0001>

<sc_bundles>
// kernel: _run.3.cloned.1.call-start
scs
__scs_entry_jumppad:
0x0: {  	(pc) =	sbr.rel $0x88, $3  }
0x1: {  	(tag) =	ssettag $0x0;
	lr =	simm.s32 $0x1  }
0x2: {  	[smem:$0x3F9D] =	sst lr;
	_ =	strace $0xD0000000  }
0x3: {  	_ = 	snop  }
0x4: {  	_ = 	snop  }
0x5: {  	_ = 	snop  }
0x6: {  	_ = 	snop  }
0x7: {  	_ = 	snop  }
__scs_overlays_trampoline_lowered:
0x8: {  	[smem:$0x3FAC] =	sst s0  }
0x9: {  	[smem:$0x3FAD] =	sst s1  }
0xa: {  	[smem:$0x3FAE] =	sst s2  }
0xb: {  	[smem:$0x3FAF] =	sst s3  }
0xc: {  	[smem:$0x3FB0] =	sst s4  }
0xd: {  	[smem:$0x3FB1] =	sst s5  }
0xe: {  	[smem:$0x3FB2] =	sst s6  }
0xf: {  	[smem:$0x3FB3] =	sst s7  }
0x10: {  	[smem:$0x3FB4] =	sst s8  }
0x11: {  	[smem:$0x3FB5] =	sst s9;
	s0 =	simm.s32 @!p0 $0x0  }
0x12: {  	s1 =	sld [smem:$0x3F9B];
	s0 =	simm.s32 @p0 $0x1  }
0x13: {  	[smem:$0x3FB6] =	sst s0;
	s0 =	simm.s32 @!p1 $0x0  }
0x14: {  	s2 =	sld [smem:$0x3F9A];
	s0 =	simm.s32 @p1 $0x1  }
0x15: {  	[smem:$0x3FB7] =	sst s0;
	s0 =	simm.s32 @!p2 $0x0  }
0x16: {  	s3 =	sld [smem:$0x3FDB];
	s0 =	simm.s32 @p2 $0x1  }
0x17: {  	s4 =	simm.s32 $0x1BF5;
	[smem:$0x3FB9] =	sst s0  }
0x18: {  	s0 =	sld [smem:$0x3F9C];
	_ =	swait.ge [sflag:s4], $0x0  }
0x19: {  	s7 =	sld [smem:$0x3F9D]  }
0x1a: {  	s8 =	sadd.s32 $0xFFFFE003, lr  }
0x1b: {  	s9 =	sadd.s32 $0xFFFFFEF7, lr;
	s5 =	simm.s32 $0xFFFFFFFF;
	p2 =	slt.u32 s8, $0xFFFFF086  }
0x1c: {  	p1 =	slt.u32 s9, $0xF7A;
	s5 =	simm.s32 @!p2 $0x0  }
0x1d: {  	s5 =	simm.s32 @p1 $0x1;
	p0 =	seq.s32 s7, s2  }
0x1e: {  	s7 =	smul.u32 @!p0 $0xF7A, s2;
	p2 =	seq.s32 @!p0 s5, $0x0  }
0x1f: {  	s9 =	smul.u32 $0xF7A, s1;
	s8 =	simm.s32 @!p0 $0x1BF5;
	p2 =	por !p2, p0  }
0x20: {  	[sflag:s8] =	ssyncset.s32 @!p0 $0xFFFFF086;
	s6 =	sadd.s32 @!p0 s3, s7;
	s7 =	simm.s32 @!p0 $0x108  }
0x21: {  	s3 =	sadd.s32 s3, s9;
	s6 =	sadd.s32 @!p0 $0x88, s6;
	s7 =	simm.s32 @p2 $0x1082  }
0x22: {  	[simem:s7], [sflag:s8] =	dma.local @!p0 [hbm:s6], $0xF7A  }
0x23: {  	s9 =	sor.u32 $0xD0000000, s2;
	s6 =	simm.s32 $0x108;
	_ =	swait.ge @!p0 [sflag:s8], $0x0  }
0x24: {  	s3 =	sadd.s32 $0x88, s3;
	s6 =	simm.s32 @!p1 $0x1082;
	[sflag:s4] =	ssyncset.s32 $0xFFFFF086  }
0x25: {  	[simem:s6], [sflag:s4] =	dma.local [hbm:s3], $0xF7A  }
0x26: {  	[smem:$0x3F9D] =	sst s1;
	(tag) =	ssettag s2;
	_ =	strace s9  }
0x27: {  	s1 =	sld [smem:$0x3FAD]  }
0x28: {  	s2 =	sld [smem:$0x3FAE]  }
0x29: {  	s4 =	sld [smem:$0x3FB0]  }
0x2a: {  	p0 =	seq.s32 s5, $0x0;
	s5 =	sld [smem:$0x3FB1]  }
0x2b: {  	s6 =	sld [smem:$0x3FB2]  }
0x2c: {  	s7 =	sld [smem:$0x3FB3]  }
0x2d: {  	s3 =	simm.s32 $0x108;
	s8 =	sld [smem:$0x3FB4]  }
0x2e: {  	s3 =	simm.s32 @!p0 $0x1082;
	s9 =	sld [smem:$0x3FB5]  }
0x2f: {  	lr =	sadd.s32 s0, s3;
	s0 =	sld [smem:$0x3FAC]  }
0x30: {  	s3 =	sld [smem:$0x3FAF]  }
0x31: {  	[smem:$0x3FB8] =	sst s10  }
0x32: {  	s10 =	sld [smem:$0x3FB6];
	_ =	sdelay $0x3  }
0x33: {  	p0 =	seq.s32 s10, $0x1;
	s10 =	sld [smem:$0x3FB8];
	_ =	sdelay $0x3  }
0x34: {  	[smem:$0x3FB8] =	sst s10  }
0x35: {  	s10 =	sld [smem:$0x3FB7];
	_ =	sdelay $0x3  }
0x36: {  	p1 =	seq.s32 s10, $0x1;
	s10 =	sld [smem:$0x3FB8];
	_ =	sdelay $0x3  }
0x37: {  	[smem:$0x3FB8] =	sst s10  }
0x38: {  	s10 =	sld [smem:$0x3FB9]  }
0x39: {  	_ = 	snop;
	(pc) =	sbr.ind lr, $3  }
0x3a: {  	_ = 	snop  }
0x3b: {  	_ = 	snop  }
0x3c: {  	p2 =	seq.s32 s10, $0x1;
	s10 =	sld [smem:$0x3FB8]  }
0x3d: {  	_ =	shalt  }
0x3e: {  	_ =	shalt  }
0x3f: {  	_ =	shalt  }
0x40: {  	_ =	shalt  }
0x41: {  	_ =	shalt  }
0x42: {  	_ =	shalt  }
0x43: {  	_ =	shalt  }
0x44: {  	_ =	shalt  }
0x45: {  	_ =	shalt  }
0x46: {  	_ =	shalt  }
0x47: {  	_ =	shalt  }
0x48: {  	_ =	shalt  }
0x49: {  	_ =	shalt  }
0x4a: {  	_ =	shalt  }
0x4b: {  	_ =	shalt  }
0x4c: {  	_ =	shalt  }
0x4d: {  	_ =	shalt  }
0x4e: {  	_ =	shalt  }
0x4f: {  	_ =	shalt  }
0x50: {  	_ =	shalt  }
0x51: {  	_ =	shalt  }
0x52: {  	_ =	shalt  }
0x53: {  	_ =	shalt  }
0x54: {  	_ =	shalt  }
0x55: {  	_ =	shalt  }
0x56: {  	_ =	shalt  }
0x57: {  	_ =	shalt  }
0x58: {  	_ =	shalt  }
0x59: {  	_ =	shalt  }
0x5a: {  	_ =	shalt  }
0x5b: {  	_ =	shalt  }
0x5c: {  	_ =	shalt  }
0x5d: {  	_ =	shalt  }
0x5e: {  	_ =	shalt  }
0x5f: {  	_ =	shalt  }
0x60: {  	_ =	shalt  }
0x61: {  	_ =	shalt  }
0x62: {  	_ =	shalt  }
0x63: {  	_ =	shalt  }
0x64: {  	_ =	shalt  }
0x65: {  	_ =	shalt  }
0x66: {  	_ =	shalt  }
0x67: {  	_ =	shalt  }
0x68: {  	_ =	shalt  }
0x69: {  	_ =	shalt  }
0x6a: {  	_ =	shalt  }
0x6b: {  	_ =	shalt  }
0x6c: {  	_ =	shalt  }
0x6d: {  	_ =	shalt  }
0x6e: {  	_ =	shalt  }
0x6f: {  	_ =	shalt  }
0x70: {  	_ =	shalt  }
0x71: {  	_ =	shalt  }
0x72: {  	_ =	shalt  }
0x73: {  	_ =	shalt  }
0x74: {  	_ =	shalt  }
0x75: {  	_ =	shalt  }
0x76: {  	_ =	shalt  }
0x77: {  	_ =	shalt  }
0x78: {  	_ =	shalt  }
0x79: {  	_ =	shalt  }
0x7a: {  	_ =	shalt  }
0x7b: {  	_ =	shalt  }
0x7c: {  	_ =	shalt  }
0x7d: {  	_ =	shalt  }
0x7e: {  	_ =	shalt  }
0x7f: {  	_ =	shalt  }
0x80: {  	_ =	shalt  }
0x81: {  	_ =	shalt  }
0x82: {  	_ =	shalt  }
0x83: {  	_ =	shalt  }
0x84: {  	_ =	shalt  }
0x85: {  	_ =	shalt  }
0x86: {  	_ =	shalt  }
0x87: {  	_ =	shalt  }
.Lfunc_end0:
.L_simem_size_0:
called_computation_lowered:
.L_overlay_start_0:
0x88: {  	s2 =	sld [smem:$0x3FD9]  }
0x89: {  	s3 =	sld [smem:$0x3FFE];
	_ =	sdelay $0x1  }
0x8a: {  	s1 =	srdreg.scid  }
0x8b: {  	s0 =	sand.u32 $0x1, s1  }
0x8c: {  	s18 =	sshll.u32 s0, $0xA;
	s2 =	sadd.s32 s3, s2  }
0x8d: {  	s2 =	sadd.s32 s2, s18  }
0x8e: {  	[smem:$0x3FC4] =	sst s2  }
0x8f: {  	_ = 	snop  }
0x90: {  	s2 =	sld [smem:$0x3FC9]  }
0x91: {  	s19 =	sld [smem:$0x3FC8]  }
0x92: {  	s4 =	sld [smem:$0x3FC7]  }
0x93: {  	s5 =	sld [smem:$0x3FC6]  }
0x94: {  	s6 =	sld [smem:$0x3FD0];
	(tm) =	ssettm $0x1  }
0x95: {  	s7 =	sld [smem:$0x3FFB];
	_ =	sdelay $0x3  }
0x96: {  	_ =	strace s7  }
0x97: {  	s7 =	sld [smem:$0x3FFC];
	_ =	sdelay $0x3  }
0x98: {  	_ =	strace s7  }
0x99: {  	s7 =	sld [smem:$0x3FFD];
	_ =	sdelay $0x3  }
0x9a: {  	_ =	strace s7  }
0x9b: {  	_ =	strace $0x8FFFFFFF  }
0x9c: {  	s20 =	sld [smem:$0x3FDB];
	_ =	sdelay $0x1  }
0x9d: {  	s8 =	simm.s32 $_scs_section_size  }
0x9e: {  	s9 =	simm.s32 $_size__tile_overlayer_lowered;
	s10 =	simm.s32 $_tile_overlayer_lowered  }
0x9f: {  	s23 =	simm.s32 $0x1BFF;
	s22 =	sshll.u32 s10, $0x1;
	s7 =	sadd.s32 s8, s20  }
0xa0: {  	s11 =	simm.s32 $0x0;
	s21 =	sshll.u32 s9, $0x1;
	s9 =	sadd.s32 s22, s7  }
0xa1: {  	[timem:s11], [sflag:s23] =	dma.local [hbm:s9], s21  }
0xa2: {  	_ =	swait.ge [sflag:s23], s21  }
0xa3: {  	s8 =	ssub.s32 $0x0, s21;
	[sflag:s23] =	ssyncset.done $0x0  }
0xa4: {  	[sflag:s23] =	ssyncadd.s32 s8;
	_ =	sdelay $0x1  }
0xa5: {  	s24 =	simm.s32 $0x1B8B  }
0xa6: {  	_ =	swait.ge [sflag:s24], $0x1  }
0xa7: {  	[sflag:s24] =	ssyncset.done $0x0  }
0xa8: {  	s25 =	simm.s32 $0x1B8E;
	[sflag:s24] =	ssyncadd.s32 $0xFFFFFFFF  }
0xa9: {  	s26 =	simm.s32 $execute0_lowered;
	[smem:$0x3FD2] =	sst s25  }
0xaa: {  	s8 =	sshll.u32 s26, $0x1;
	_ =	strace $0x80000046;
	[dreg:$0x1] =	wrdreg $0xFFFFFFFF  }
0xab: {  	s28 =	simm.s32 $_size_execute0_lowered;
	s7 =	sadd.s32 s7, s8;
	[dreg:$0x0] =	wrdreg $0x0  }
0xac: {  	s8 =	sshll.u32 s28, $0x1;
	[dreg:$0x2] =	wrdreg s7  }
0xad: {  	[dreg:$0x3] =	wrdreg s8  }
0xae: {  	[dreg:$0x4] =	wrdreg $0xC0  }
0xaf: {  	_ =	task [dreg:s11], $0x5FFFF  }
0xb0: {  	[dreg:$0x1] =	wrdreg $0xFFFFFFFF  }
0xb1: {  	[dreg:$0x0] =	wrdreg $0x60  }
0xb2: {  	[dreg:$0x2] =	wrdreg s2  }
0xb3: {  	[dreg:$0x3] =	wrdreg s19  }
0xb4: {  	[dreg:$0x4] =	wrdreg s4  }
0xb5: {  	[dreg:$0x5] =	wrdreg s5  }
0xb6: {  	[dreg:$0x6] =	wrdreg s6  }
0xb7: {  	[dreg:$0x7] =	wrdreg $0x9  }
0xb8: {  	_ =	task.clear_ibuf [dreg:s11], $0x8FFFF;
	_ =	strace $0x90000046  }
0xb9: {  	s29 =	simm.s32 $0x9;
	_ =	strace $0x80000048  }
0xba: {  	_ =	swait.ge [sflag:s29], $0x1  }
0xbb: {  	[sflag:s29] =	ssyncadd.s32 $0xFFFFFFFF  }
0xbc: {  	_ =	strace $0x90000048  }
0xbd: {  	_ =	sfence  }
0xbe: {  	s30 =	sld [smem:$0x0];
	_ =	sdelay $0x2  }
0xbf: {  	s31 =	sshll.u32 s1, $0xD;
	s1 =	sshrl.u32 s1, $0x2  }
0xc0: {  	s3 =	sand.u32 $0x4000, s31;
	s1 =	sadd.s32 s1, s30  }
0xc1: {  	s0 =	sor.u32 s3, s0;
	s1 =	sshll.u32 s1, $0x11  }
0xc2: {  	s0 =	sor.u32 s1, s0  }
0xc3: {  	s0 =	sadd.s32 $0x8F2B, s0  }
0xc4: {  	[sflag:s0] =	ssyncadd.remote.s32 $0x1  }
0xc5: {  	_ =	sfence.sel $0xFFFF  }
0xc6: {  	[dreg:$0x0] =	wrdreg $0xFFFFFFFF;
	(pc) =	sbr.abs _section_cstart, $3  }
0xc7: {  	[dreg:$0x1] =	wrdreg $0xFFFFFFFF  }
0xc8: {  	_ =	task.clear_ibuf [dreg:s11], $0x2FFFF;
	_ =	strace $0x9FFFFFFF  }
0xc9: {  	(tm) =	ssettm $0x7FFFFFFF  }
tec
execute0_lowered:
.L_overlay_start_1:
0x0: {  	(tag) =	ssettag $0x1  }
0x1: {  	s1 =	rddreg [dreg:$0x0]  }
0x2: {  	s2 =	rddreg [dreg:$0x1]  }
0x3: {  	s6 =	rddreg [dreg:$0x4]  }
0x4: {  	s0 =	srdreg.scid;
	s3 =	stileid.u32;
	s7 =	simm.s32 $0x0  }
0x5: {  	s17 =	simm.s32 $0xD;
	s19 =	simm.s32 $0xC100;
	s21 =	simm.s32 $0x1000  }
0x6: {  	s22 =	simm.s32 $0x5000;
	s23 =	simm.s32 $0x2000;
	s24 =	simm.s32 $0x6000  }
0x7: {  	s25 =	simm.s32 $0x6;
	s28 =	simm.s32 $0xC;
	s29 =	simm.s32 $0x3  }
0x8: {  	s30 =	simm.s32 $0x0;
	s0 =	sand.u32 $0x1, s0;
	s3 =	sshll.u32 s3, $0xD  }
0x9: {  	[smem:$0x7FF] =	sst s7;
	s4 =	sshll.u32 s0, $0xC;
	s0 =	ssub.s32 $0x2, s0  }
0xa: {  	_ =	strace $0x80000047;
	s8 =	sor.u32 s4, s3;
	s26 =	sshrl.u32 s0, $0x1  }
0xb: {  	s4 =	sshrl.u32 s8, $0x3;
	s0 =	ssub.s32 s0, s26;
	s26 =	simm.s32 $0x9  }
0xc: {  	s9 =	sadd.s32 s1, s4;
	s31 =	sor.u32 $0x4000, s4;
	s10 =	sadd.s32 s2, s4  }
0xd: {  	v1 =	vlaneseq.u32;
	s4 =	sor.u32 $0x8000, s4;
	s15 =	smax.u32 s0, $0x1;
	s11 =	sadd.s32 s1, s31  }
0xe: {  	v0 =	vadd.s32 $0x1, v1;
	v1 =	vadd.s32 $0x11, v1;
	s12 =	sadd.s32 s2, s31;
	s13 =	sadd.s32 s1, s4;
	s14 =	sadd.s32 s2, s4  }
.LBB2_1:
0xf: {  	s0 =	rddreg [dreg:$0x2];
	s3 =	simm.s32 $0xC000  }
0x10: {  	[tilespmem:s3], [sflag:$0xD] =	stream.linear.gather [hbm4b:s0+s7], $0x80, $0x38;
	[tilespmem:$0xC180] =	vst v63  }
0x11: {  	_ =	swait.ge [sflag:s17], $0x80  }
0x12: {  	[sflag:s17] =	ssyncset.done $0x0  }
0x13: {  	[sflag:s17] =	ssyncadd.s32 $0xFFFFFF80  }
0x14: {  	s18 =	simm.s32 $0xC080;
	s16 =	rddreg [dreg:$0x3]  }
0x15: {  	[tilespmem:s18], [sflag:$0xD] =	stream.linear.gather [hbm4b:s16+s7], $0x80, $0x38;
	[tilespmem:$0xC180] =	vst v63  }
0x16: {  	_ =	swait.ge [sflag:s17], $0x80  }
0x17: {  	[sflag:s17] =	ssyncset.done $0x0  }
0x18: {  	[sflag:s17] =	ssyncadd.s32 $0xFFFFFF80  }
0x19: {  	v2 =	vld [tilespmem:$0xC000]  }
0x1a: {  	v3 =	vld [tilespmem:$0xC080];
	_ =	sdelay $0x4  }
0x1b: {  	v3 =	vsub.f32 v3, v2;
	_ =	sdelay $0x1  }
0x1c: {  	(erf) = vrcp.f32 v3;
	_ =	sdelay $0x8  }
0x1d: {  	v3 =	vpop (erf)  }
0x1e: {  	v3 =	vmul.f32 $9.800000190e-01, v3;
	_ =	sdelay $0x1  }
0x1f: {  	v2 =	vmul.f32 v3, v2;
	_ =	sdelay $0x1  }
0x20: {  	v2 =	vsub.f32 $9.999999770e-03, v2;
	_ =	sdelay $0x1  }
0x21: {  	v3 =	vadd.s32 $0x8000, v3;
	v2 =	vadd.s32 $0x8000, v2  }
0x22: {  	v3 =	vand.u32 $0xFFFF0000, v3;
	v2 =	vshrl.u32 v2, $0x10  }
0x23: {  	v2 =	vor.u32 v3, v2  }
0x24: {  	[tilespmem:v0+s19+$0x0] =	vst.idx.msk $0xffff, v2  }
0x25: {  	v2 =	vld [tilespmem:$0xC010]  }
0x26: {  	v3 =	vld [tilespmem:$0xC090];
	_ =	sdelay $0x4  }
0x27: {  	v3 =	vsub.f32 v3, v2;
	_ =	sdelay $0x1  }
0x28: {  	(erf) = vrcp.f32 v3;
	_ =	sdelay $0x8  }
0x29: {  	v3 =	vpop (erf)  }
0x2a: {  	v3 =	vmul.f32 $9.800000190e-01, v3;
	_ =	sdelay $0x1  }
0x2b: {  	v2 =	vmul.f32 v3, v2;
	_ =	sdelay $0x1  }
0x2c: {  	v2 =	vsub.f32 $9.999999770e-03, v2;
	_ =	sdelay $0x1  }
0x2d: {  	v3 =	vadd.s32 $0x8000, v3;
	v2 =	vadd.s32 $0x8000, v2  }
0x2e: {  	v3 =	vand.u32 $0xFFFF0000, v3;
	v2 =	vshrl.u32 v2, $0x10  }
0x2f: {  	v2 =	vor.u32 v3, v2  }
0x30: {  	[tilespmem:v1+s19+$0x0] =	vst.idx.msk $0xffff, v2  }
0x31: {  	[tilespmem:s7], [sflag:$0x1] =	stream.linear.gather [hbm4b:s9+s7], $0x1000, $0x38;
	[tilespmem:$0xC180] =	vst v63  }
0x32: {  	s20 =	simm.s32 $0x4000  }
0x33: {  	[tilespmem:s20], [sflag:$0x2] =	stream.linear.gather [hbm4b:s10+s7], $0x1000, $0x38;
	[tilespmem:$0xC180] =	vst v63  }
0x34: {  	_ = 	snop  }
0x35: {  	[tilespmem:s21], [sflag:$0x4] =	stream.linear.gather [hbm4b:s11+s7], $0x1000, $0x38;
	[tilespmem:$0xC180] =	vst v63  }
0x36: {  	_ = 	snop  }
0x37: {  	[tilespmem:s22], [sflag:$0x5] =	stream.linear.gather [hbm4b:s12+s7], $0x1000, $0x38;
	[tilespmem:$0xC180] =	vst v63  }
0x38: {  	_ = 	snop  }
0x39: {  	[tilespmem:s23], [sflag:$0x7] =	stream.linear.gather [hbm4b:s13+s7], $0x1000, $0x38;
	[tilespmem:$0xC180] =	vst v63  }
0x3a: {  	s31 =	simm.s32 $0x0;
	s0 =	simm.s32 $0x0  }
0x3b: {  	[tilespmem:s24], [sflag:$0x8] =	stream.linear.gather [hbm4b:s14+s7], $0x1000, $0x38;
	[tilespmem:$0xC180] =	vst v63  }
.LBB2_2:
0x3c: {  	p0 =	sgt.u32 s0, $0x15  }
0x3d: {  	s3 =	sadd.s32 @!p0 $0x3, s0  }
0x3e: {  	s4 =	sand.u32 @!p0 $0x3, s3  }
0x3f: {  	s3 =	sshll.u32 @!p0 s3, $0x11;
	s5 =	smul.u32 @!p0 $0xC, s4  }
0x40: {  	s3 =	sor.u32 @!p0 s8, s3  }
0x41: {  	s20 =	simm.s32 @!p0 $0x0;
	s3 =	sshrl.u32 @!p0 s3, $0x3;
	s5 =	sshrl.u32 @!p0 s5, $0x2  }
0x42: {  	s16 =	sshll.u32 @!p0 s4, $0xC;
	s18 =	sadd.s32 @!p0 s1, s3;
	s4 =	sadd.s32 @!p0 $0x1, s5  }
0x43: {  	[tilespmem:s16], [sflag:s4] =	stream.linear.gather @!p0 [hbm4b:s18+s20], $0x1000, $0x38;
	[tilespmem:$0xC180] =	vst v63  }
0x44: {  	s3 =	sadd.s32 @!p0 s2, s3;
	s4 =	sand.u32 $0x3, s0  }
0x45: {  	s5 =	sadd.s32 @!p0 $0x2, s5;
	s16 =	sor.u32 @!p0 $0x4000, s16;
	s18 =	smul.u32 $0xC, s4  }
0x46: {  	[tilespmem:s16], [sflag:s5] =	stream.linear.gather @!p0 [hbm4b:s3+s20], $0x1000, $0x38;
	[tilespmem:$0xC180] =	vst v63  }
0x47: {  	s3 =	sshrl.u32 s18, $0x2  }
0x48: {  	s16 =	sadd.s32 $0x1, s3  }
0x49: {  	_ =	swait.ge [sflag:s16], $0x1000  }
0x4a: {  	[sflag:s16] =	ssyncset.done $0x0  }
0x4b: {  	s20 =	sshll.u32 s31, $0xC;
	s18 =	sadd.s32 $0x2, s3;
	[sflag:s16] =	ssyncadd.s32 $0xFFFFF000  }
0x4c: {  	s16 =	sand.u32 $0x3000, s20;
	_ =	swait.ge [sflag:s18], $0x1000  }
0x4d: {  	p0 =	slt.u32 s0, $0x4;
	s20 =	sor.u32 $0x4000, s16;
	[sflag:s18] =	ssyncset.done $0x0  }
0x4e: {  	s5 =	sadd.s32 @!p0 $0x3, s3;
	v2 =	vmov s20;
	[sflag:s18] =	ssyncadd.s32 $0xFFFFF000  }
0x4f: {  	_ =	swait.ge @!p0 [sflag:s5], $0x1000  }
0x50: {  	s18 =	sor.u32 $0x8800, s16;
	[sflag:s5] =	ssyncset.done @!p0 $0x0  }
0x51: {  	v3 =	vmov s16;
	v4 =	vmov s18;
	[sflag:s5] =	ssyncadd.s32 @!p0 $0xFFFFF000;
	s5 =	simm.s32 $0x0  }
.LBB2_3:
0x52: {  	s16 =	sshra.s32 s5, $0x2  }
0x53: {  	v5 =	vld.idx.msk [tilespmem:v2+s16+$0x0 ss:$0x1], $0xffff  }
0x54: {  	v6 =	vld.idx.msk [tilespmem:v2+s16+$0x10 ss:$0x1], $0xffff  }
0x55: {  	v7 =	vld.idx.msk [tilespmem:v2+s16+$0x20 ss:$0x1], $0xffff  }
0x56: {  	v8 =	vld.idx.msk [tilespmem:v2+s16+$0x30 ss:$0x1], $0xffff  }
0x57: {  	v9 =	vld.idx.msk [tilespmem:v2+s16+$0x40 ss:$0x1], $0xffff  }
0x58: {  	v10 =	vld.idx.msk [tilespmem:v2+s16+$0x50 ss:$0x1], $0xffff  }
0x59: {  	v11 =	vld.idx.msk [tilespmem:v2+s16+$0x60 ss:$0x1], $0xffff  }
0x5a: {  	v12 =	vld.idx.msk [tilespmem:v2+s16+$0x70 ss:$0x1], $0xffff  }
0x5b: {  	v13 =	vld.idx.msk [tilespmem:v3+s16+$0x0 ss:$0x1], $0xffff  }
0x5c: {  	v14 =	vld.idx.msk [tilespmem:v3+s16+$0x10 ss:$0x1], $0xffff  }
0x5d: {  	v15 =	vld.idx.msk [tilespmem:v3+s16+$0x20 ss:$0x1], $0xffff  }
0x5e: {  	v16 =	vld.idx.msk [tilespmem:v3+s16+$0x30 ss:$0x1], $0xffff  }
0x5f: {  	v18 =	vld.idx.msk [tilespmem:v3+s16+$0x40 ss:$0x1], $0xffff  }
0x60: {  	v5 =	vld.idx.msk [tilespmem:v5+s19+$0x0], $0xffff  }
0x61: {  	v6 =	vld.idx.msk [tilespmem:v6+s19+$0x0], $0xffff  }
0x62: {  	v7 =	vld.idx.msk [tilespmem:v7+s19+$0x0], $0xffff  }
0x63: {  	v8 =	vld.idx.msk [tilespmem:v8+s19+$0x0], $0xffff  }
0x64: {  	v9 =	vld.idx.msk [tilespmem:v9+s19+$0x0], $0xffff  }
0x65: {  	v63 =	vld.idx.msk [tilespmem:v3+s16+$0x50 ss:$0x1], $0xffff  }
0x66: {  	v10 =	vld.idx.msk [tilespmem:v10+s19+$0x0], $0xffff;
	v17 =	vand.u32 $0xFFFF0000, v5;
	v62 =	vand.u32 $0xFFFF0000, v6  }
0x67: {  	v11 =	vld.idx.msk [tilespmem:v11+s19+$0x0], $0xffff;
	v5 =	vshll.u32 v5, $0x10;
	v6 =	vshll.u32 v6, $0x10;
	v21 =	vand.u32 $0xFFFF0000, v7  }
0x68: {  	v12 =	vld.idx.msk [tilespmem:v12+s19+$0x0], $0xffff;
	v22 =	vand.u32 $0xFFFF0000, v8;
	v7 =	vshll.u32 v7, $0x10;
	v13 =	vmul.f32 v17, v13  }
0x69: {  	v19 =	vld.idx.msk [tilespmem:v3+s16+$0x60 ss:$0x1], $0xffff;
	v24 =	vand.u32 $0xFFFF0000, v9;
	v8 =	vshll.u32 v8, $0x10;
	v14 =	vmul.f32 v62, v14  }
0x6a: {  	v23 =	vld.idx.msk [tilespmem:v3+s16+$0x70 ss:$0x1], $0xffff;
	v26 =	vshll.u32 v9, $0x10;
	v5 =	vadd.f32 v5, v13;
	v13 =	vmul.f32 v21, v15  }
0x6b: {  	v27 =	vand.u32 $0xFFFF0000, v10;
	v6 =	vadd.f32 v6, v14;
	v14 =	vmul.f32 v22, v16  }
0x6c: {  	v29 =	vand.u32 $0xFFFF0000, v11;
	v25 =	vmul.f32 v24, v18;
	v7 =	vadd.f32 v7, v13;
	[tilespmem:v4+s16+$0xFFFFF800 ss:$0x1] =	vst.idx.msk $0xffff, v5  }
0x6d: {  	v30 =	vand.u32 $0xFFFF0000, v12;
	v28 =	vmul.f32 v27, v63;
	v5 =	vadd.f32 v8, v14;
	[tilespmem:v4+s16+$0xFFFFF810 ss:$0x1] =	vst.idx.msk $0xffff, v6  }
0x6e: {  	v9 =	vmul.f32 v29, v19;
	v6 =	vadd.f32 v26, v25;
	[tilespmem:v4+s16+$0xFFFFF820 ss:$0x1] =	vst.idx.msk $0xffff, v7;
	v7 =	vshll.u32 v10, $0x10  }
0x6f: {  	v31 =	vmul.f32 v30, v23;
	[tilespmem:v4+s16+$0xFFFFF830 ss:$0x1] =	vst.idx.msk $0xffff, v5;
	v5 =	vadd.f32 v7, v28;
	v7 =	vshll.u32 v11, $0x10  }
0x70: {  	[tilespmem:v4+s16+$0xFFFFF840 ss:$0x1] =	vst.idx.msk $0xffff, v6;
	v6 =	vadd.f32 v7, v9;
	v7 =	vshll.u32 v12, $0x10  }
0x71: {  	[tilespmem:v4+s16+$0xFFFFF850 ss:$0x1] =	vst.idx.msk $0xffff, v5;
	v5 =	vadd.f32 v7, v31  }
0x72: {  	[tilespmem:v4+s16+$0xFFFFF860 ss:$0x1] =	vst.idx.msk $0xffff, v6  }
0x73: {  	[tilespmem:v4+s16+$0xFFFFF870 ss:$0x1] =	vst.idx.msk $0xffff, v5  }
0x74: {  	v5 =	vld.idx.msk [tilespmem:v2+s16+$0x400 ss:$0x1], $0xffff  }
0x75: {  	v6 =	vld.idx.msk [tilespmem:v2+s16+$0x410 ss:$0x1], $0xffff  }
0x76: {  	v7 =	vld.idx.msk [tilespmem:v2+s16+$0x420 ss:$0x1], $0xffff  }
0x77: {  	v32 =	vld.idx.msk [tilespmem:v2+s16+$0x430 ss:$0x1], $0xffff  }
0x78: {  	v33 =	vld.idx.msk [tilespmem:v2+s16+$0x440 ss:$0x1], $0xffff  }
0x79: {  	v34 =	vld.idx.msk [tilespmem:v2+s16+$0x450 ss:$0x1], $0xffff  }
0x7a: {  	v35 =	vld.idx.msk [tilespmem:v2+s16+$0x460 ss:$0x1], $0xffff  }
0x7b: {  	v36 =	vld.idx.msk [tilespmem:v2+s16+$0x470 ss:$0x1], $0xffff  }
0x7c: {  	v37 =	vld.idx.msk [tilespmem:v3+s16+$0x400 ss:$0x1], $0xffff  }
0x7d: {  	v38 =	vld.idx.msk [tilespmem:v3+s16+$0x410 ss:$0x1], $0xffff  }
0x7e: {  	v39 =	vld.idx.msk [tilespmem:v3+s16+$0x420 ss:$0x1], $0xffff  }
0x7f: {  	v40 =	vld.idx.msk [tilespmem:v3+s16+$0x430 ss:$0x1], $0xffff  }
0x80: {  	v42 =	vld.idx.msk [tilespmem:v3+s16+$0x440 ss:$0x1], $0xffff  }
0x81: {  	v5 =	vld.idx.msk [tilespmem:v5+s19+$0x0], $0xffff  }
0x82: {  	v6 =	vld.idx.msk [tilespmem:v6+s19+$0x0], $0xffff  }
0x83: {  	v7 =	vld.idx.msk [tilespmem:v7+s19+$0x0], $0xffff  }
0x84: {  	v8 =	vld.idx.msk [tilespmem:v32+s19+$0x0], $0xffff  }
0x85: {  	v9 =	vld.idx.msk [tilespmem:v33+s19+$0x0], $0xffff  }
0x86: {  	v44 =	vld.idx.msk [tilespmem:v3+s16+$0x450 ss:$0x1], $0xffff  }
0x87: {  	v10 =	vld.idx.msk [tilespmem:v34+s19+$0x0], $0xffff;
	v41 =	vand.u32 $0xFFFF0000, v5;
	v43 =	vand.u32 $0xFFFF0000, v6  }
0x88: {  	v11 =	vld.idx.msk [tilespmem:v35+s19+$0x0], $0xffff;
	v5 =	vshll.u32 v5, $0x10;
	v6 =	vshll.u32 v6, $0x10;
	v45 =	vand.u32 $0xFFFF0000, v7  }
0x89: {  	v12 =	vld.idx.msk [tilespmem:v36+s19+$0x0], $0xffff;
	v47 =	vand.u32 $0xFFFF0000, v8;
	v7 =	vshll.u32 v7, $0x10;
	v13 =	vmul.f32 v41, v37  }
0x8a: {  	v46 =	vld.idx.msk [tilespmem:v3+s16+$0x460 ss:$0x1], $0xffff;
	v49 =	vand.u32 $0xFFFF0000, v9;
	v8 =	vshll.u32 v8, $0x10;
	v14 =	vmul.f32 v43, v38  }
0x8b: {  	v48 =	vld.idx.msk [tilespmem:v3+s16+$0x470 ss:$0x1], $0xffff;
	v51 =	vshll.u32 v9, $0x10;
	v5 =	vadd.f32 v5, v13;
	v13 =	vmul.f32 v45, v39  }
0x8c: {  	v52 =	vand.u32 $0xFFFF0000, v10;
	v6 =	vadd.f32 v6, v14;
	v14 =	vmul.f32 v47, v40  }
0x8d: {  	v54 =	vand.u32 $0xFFFF0000, v11;
	v50 =	vmul.f32 v49, v42;
	v7 =	vadd.f32 v7, v13;
	[tilespmem:v4+s16+$0xFFFFFC00 ss:$0x1] =	vst.idx.msk $0xffff, v5  }
0x8e: {  	v55 =	vand.u32 $0xFFFF0000, v12;
	v53 =	vmul.f32 v52, v44;
	v5 =	vadd.f32 v8, v14;
	[tilespmem:v4+s16+$0xFFFFFC10 ss:$0x1] =	vst.idx.msk $0xffff, v6  }
0x8f: {  	v9 =	vmul.f32 v54, v46;
	v6 =	vadd.f32 v51, v50;
	[tilespmem:v4+s16+$0xFFFFFC20 ss:$0x1] =	vst.idx.msk $0xffff, v7;
	v7 =	vshll.u32 v10, $0x10  }
0x90: {  	v56 =	vmul.f32 v55, v48;
	[tilespmem:v4+s16+$0xFFFFFC30 ss:$0x1] =	vst.idx.msk $0xffff, v5;
	v5 =	vadd.f32 v7, v53;
	v7 =	vshll.u32 v11, $0x10  }
0x91: {  	[tilespmem:v4+s16+$0xFFFFFC40 ss:$0x1] =	vst.idx.msk $0xffff, v6;
	v6 =	vadd.f32 v7, v9;
	v7 =	vshll.u32 v12, $0x10  }
0x92: {  	[tilespmem:v4+s16+$0xFFFFFC50 ss:$0x1] =	vst.idx.msk $0xffff, v5;
	v5 =	vadd.f32 v7, v56  }
0x93: {  	[tilespmem:v4+s16+$0xFFFFFC60 ss:$0x1] =	vst.idx.msk $0xffff, v6  }
0x94: {  	[tilespmem:v4+s16+$0xFFFFFC70 ss:$0x1] =	vst.idx.msk $0xffff, v5  }
0x95: {  	v5 =	vld.idx.msk [tilespmem:v2+s16+$0x800 ss:$0x1], $0xffff  }
0x96: {  	v6 =	vld.idx.msk [tilespmem:v2+s16+$0x810 ss:$0x1], $0xffff  }
0x97: {  	v7 =	vld.idx.msk [tilespmem:v2+s16+$0x820 ss:$0x1], $0xffff  }
0x98: {  	v57 =	vld.idx.msk [tilespmem:v2+s16+$0x830 ss:$0x1], $0xffff  }
0x99: {  	v58 =	vld.idx.msk [tilespmem:v2+s16+$0x840 ss:$0x1], $0xffff  }
0x9a: {  	v59 =	vld.idx.msk [tilespmem:v2+s16+$0x850 ss:$0x1], $0xffff  }
0x9b: {  	v60 =	vld.idx.msk [tilespmem:v2+s16+$0x860 ss:$0x1], $0xffff  }
0x9c: {  	v61 =	vld.idx.msk [tilespmem:v2+s16+$0x870 ss:$0x1], $0xffff  }
0x9d: {  	v62 =	vld.idx.msk [tilespmem:v3+s16+$0x800 ss:$0x1], $0xffff  }
0x9e: {  	v63 =	vld.idx.msk [tilespmem:v3+s16+$0x810 ss:$0x1], $0xffff  }
0x9f: {  	v21 =	vld.idx.msk [tilespmem:v3+s16+$0x820 ss:$0x1], $0xffff  }
0xa0: {  	v22 =	vld.idx.msk [tilespmem:v3+s16+$0x830 ss:$0x1], $0xffff  }
0xa1: {  	v24 =	vld.idx.msk [tilespmem:v3+s16+$0x840 ss:$0x1], $0xffff  }
0xa2: {  	v5 =	vld.idx.msk [tilespmem:v5+s19+$0x0], $0xffff  }
0xa3: {  	v6 =	vld.idx.msk [tilespmem:v6+s19+$0x0], $0xffff  }
0xa4: {  	v7 =	vld.idx.msk [tilespmem:v7+s19+$0x0], $0xffff  }
0xa5: {  	v8 =	vld.idx.msk [tilespmem:v57+s19+$0x0], $0xffff  }
0xa6: {  	v9 =	vld.idx.msk [tilespmem:v58+s19+$0x0], $0xffff  }
0xa7: {  	v26 =	vld.idx.msk [tilespmem:v3+s16+$0x850 ss:$0x1], $0xffff  }
0xa8: {  	v10 =	vld.idx.msk [tilespmem:v59+s19+$0x0], $0xffff;
	v23 =	vand.u32 $0xFFFF0000, v5;
	v25 =	vand.u32 $0xFFFF0000, v6  }
0xa9: {  	v11 =	vld.idx.msk [tilespmem:v60+s19+$0x0], $0xffff;
	v5 =	vshll.u32 v5, $0x10;
	v6 =	vshll.u32 v6, $0x10;
	v27 =	vand.u32 $0xFFFF0000, v7  }
0xaa: {  	v12 =	vld.idx.msk [tilespmem:v61+s19+$0x0], $0xffff;
	v29 =	vand.u32 $0xFFFF0000, v8;
	v7 =	vshll.u32 v7, $0x10;
	v13 =	vmul.f32 v23, v62  }
0xab: {  	v28 =	vld.idx.msk [tilespmem:v3+s16+$0x860 ss:$0x1], $0xffff;
	v31 =	vand.u32 $0xFFFF0000, v9;
	v8 =	vshll.u32 v8, $0x10;
	v14 =	vmul.f32 v25, v63  }
0xac: {  	v30 =	vld.idx.msk [tilespmem:v3+s16+$0x870 ss:$0x1], $0xffff;
	v33 =	vshll.u32 v9, $0x10;
	v5 =	vadd.f32 v5, v13;
	v13 =	vmul.f32 v27, v21  }
0xad: {  	v34 =	vand.u32 $0xFFFF0000, v10;
	v6 =	vadd.f32 v6, v14;
	v14 =	vmul.f32 v29, v22  }
0xae: {  	v36 =	vand.u32 $0xFFFF0000, v11;
	v32 =	vmul.f32 v31, v24;
	v7 =	vadd.f32 v7, v13;
	[tilespmem:v4+s16+$0x0 ss:$0x1] =	vst.idx.msk $0xffff, v5  }
0xaf: {  	v37 =	vand.u32 $0xFFFF0000, v12;
	v35 =	vmul.f32 v34, v26;
	v5 =	vadd.f32 v8, v14;
	[tilespmem:v4+s16+$0x10 ss:$0x1] =	vst.idx.msk $0xffff, v6  }
0xb0: {  	v9 =	vmul.f32 v36, v28;
	v6 =	vadd.f32 v33, v32;
	[tilespmem:v4+s16+$0x20 ss:$0x1] =	vst.idx.msk $0xffff, v7;
	v7 =	vshll.u32 v10, $0x10  }
0xb1: {  	v38 =	vmul.f32 v37, v30;
	[tilespmem:v4+s16+$0x30 ss:$0x1] =	vst.idx.msk $0xffff, v5;
	v5 =	vadd.f32 v7, v35;
	v7 =	vshll.u32 v11, $0x10  }
0xb2: {  	[tilespmem:v4+s16+$0x40 ss:$0x1] =	vst.idx.msk $0xffff, v6;
	v6 =	vadd.f32 v7, v9;
	v7 =	vshll.u32 v12, $0x10  }
0xb3: {  	[tilespmem:v4+s16+$0x50 ss:$0x1] =	vst.idx.msk $0xffff, v5;
	v5 =	vadd.f32 v7, v38  }
0xb4: {  	[tilespmem:v4+s16+$0x60 ss:$0x1] =	vst.idx.msk $0xffff, v6  }
0xb5: {  	[tilespmem:v4+s16+$0x70 ss:$0x1] =	vst.idx.msk $0xffff, v5  }
0xb6: {  	v5 =	vld.idx.msk [tilespmem:v2+s16+$0xC00 ss:$0x1], $0xffff  }
0xb7: {  	v6 =	vld.idx.msk [tilespmem:v2+s16+$0xC10 ss:$0x1], $0xffff  }
0xb8: {  	v7 =	vld.idx.msk [tilespmem:v2+s16+$0xC20 ss:$0x1], $0xffff  }
0xb9: {  	v39 =	vld.idx.msk [tilespmem:v2+s16+$0xC30 ss:$0x1], $0xffff  }
0xba: {  	v40 =	vld.idx.msk [tilespmem:v2+s16+$0xC40 ss:$0x1], $0xffff  }
0xbb: {  	v41 =	vld.idx.msk [tilespmem:v2+s16+$0xC50 ss:$0x1], $0xffff  }
0xbc: {  	v42 =	vld.idx.msk [tilespmem:v2+s16+$0xC60 ss:$0x1], $0xffff  }
0xbd: {  	v43 =	vld.idx.msk [tilespmem:v2+s16+$0xC70 ss:$0x1], $0xffff  }
0xbe: {  	v44 =	vld.idx.msk [tilespmem:v3+s16+$0xC00 ss:$0x1], $0xffff  }
0xbf: {  	v45 =	vld.idx.msk [tilespmem:v3+s16+$0xC10 ss:$0x1], $0xffff  }
0xc0: {  	v46 =	vld.idx.msk [tilespmem:v3+s16+$0xC20 ss:$0x1], $0xffff  }
0xc1: {  	v47 =	vld.idx.msk [tilespmem:v3+s16+$0xC30 ss:$0x1], $0xffff  }
0xc2: {  	v49 =	vld.idx.msk [tilespmem:v3+s16+$0xC40 ss:$0x1], $0xffff  }
0xc3: {  	v5 =	vld.idx.msk [tilespmem:v5+s19+$0x0], $0xffff  }
0xc4: {  	v6 =	vld.idx.msk [tilespmem:v6+s19+$0x0], $0xffff  }
0xc5: {  	v7 =	vld.idx.msk [tilespmem:v7+s19+$0x0], $0xffff  }
0xc6: {  	v8 =	vld.idx.msk [tilespmem:v39+s19+$0x0], $0xffff  }
0xc7: {  	v9 =	vld.idx.msk [tilespmem:v40+s19+$0x0], $0xffff  }
0xc8: {  	v51 =	vld.idx.msk [tilespmem:v3+s16+$0xC50 ss:$0x1], $0xffff  }
0xc9: {  	v10 =	vld.idx.msk [tilespmem:v41+s19+$0x0], $0xffff;
	v48 =	vand.u32 $0xFFFF0000, v5;
	v50 =	vand.u32 $0xFFFF0000, v6  }
0xca: {  	v11 =	vld.idx.msk [tilespmem:v42+s19+$0x0], $0xffff;
	v5 =	vshll.u32 v5, $0x10;
	v6 =	vshll.u32 v6, $0x10;
	v52 =	vand.u32 $0xFFFF0000, v7  }
0xcb: {  	v12 =	vld.idx.msk [tilespmem:v43+s19+$0x0], $0xffff;
	v54 =	vand.u32 $0xFFFF0000, v8;
	v7 =	vshll.u32 v7, $0x10;
	v13 =	vmul.f32 v48, v44  }
0xcc: {  	v53 =	vld.idx.msk [tilespmem:v3+s16+$0xC60 ss:$0x1], $0xffff;
	v56 =	vand.u32 $0xFFFF0000, v9;
	v8 =	vshll.u32 v8, $0x10;
	v14 =	vmul.f32 v50, v45  }
0xcd: {  	v55 =	vld.idx.msk [tilespmem:v3+s16+$0xC70 ss:$0x1], $0xffff;
	v58 =	vshll.u32 v9, $0x10;
	v5 =	vadd.f32 v5, v13;
	v13 =	vmul.f32 v52, v46  }
0xce: {  	v59 =	vand.u32 $0xFFFF0000, v10;
	v6 =	vadd.f32 v6, v14;
	v14 =	vmul.f32 v54, v47  }
0xcf: {  	v61 =	vand.u32 $0xFFFF0000, v11;
	v57 =	vmul.f32 v56, v49;
	v7 =	vadd.f32 v7, v13;
	[tilespmem:v4+s16+$0x400 ss:$0x1] =	vst.idx.msk $0xffff, v5  }
0xd0: {  	v62 =	vand.u32 $0xFFFF0000, v12;
	v60 =	vmul.f32 v59, v51;
	v5 =	vadd.f32 v8, v14;
	[tilespmem:v4+s16+$0x410 ss:$0x1] =	vst.idx.msk $0xffff, v6  }
0xd1: {  	p0 =	sne.s32 s5, $0xE00;
	v9 =	vmul.f32 v61, v53;
	v6 =	vadd.f32 v58, v57;
	[tilespmem:v4+s16+$0x420 ss:$0x1] =	vst.idx.msk $0xffff, v7;
	v7 =	vshll.u32 v10, $0x10  }
.Ltmp0:
0xd2: {  	v63 =	vmul.f32 v62, v55;
	[tilespmem:v4+s16+$0x430 ss:$0x1] =	vst.idx.msk $0xffff, v5;
	v5 =	vadd.f32 v7, v60;
	v7 =	vshll.u32 v11, $0x10;
	(pc) =	sbr.rel @p0 .LBB2_3-.Ltmp0, $4  }
0xd3: {  	[tilespmem:v4+s16+$0x440 ss:$0x1] =	vst.idx.msk $0xffff, v6;
	v6 =	vadd.f32 v7, v9;
	v7 =	vshll.u32 v12, $0x10  }
0xd4: {  	[tilespmem:v4+s16+$0x450 ss:$0x1] =	vst.idx.msk $0xffff, v5;
	v5 =	vadd.f32 v7, v63  }
0xd5: {  	[tilespmem:v4+s16+$0x460 ss:$0x1] =	vst.idx.msk $0xffff, v6  }
0xd6: {  	s5 =	sadd.s32 $0x200, s5;
	[tilespmem:v4+s16+$0x470 ss:$0x1] =	vst.idx.msk $0xffff, v5  }
0xd7: {  	s5 =	sshll.u32 s0, $0x11;
	s0 =	sadd.s32 $0x1, s0  }
0xd8: {  	p0 =	sne.s32 s0, $0x19  }
.Ltmp1:
0xd9: {  	_ = 	snop;
	(pc) =	sbr.rel @p0 .LBB2_2-.Ltmp1, $4  }
0xda: {  	s5 =	sor.u32 s8, s5  }
0xdb: {  	s4 =	sshll.u32 s4, $0xC;
	s3 =	sadd.s32 $0x3, s3;
	s5 =	sshrl.u32 s5, $0x3  }
0xdc: {  	s31 =	sadd.s32 $0x1, s31;
	s4 =	sor.u32 $0x8000, s4;
	s5 =	sadd.s32 s6, s5  }
0xdd: {  	[hbm4b:s5+s7] =	stream.linear.scatter [tilespmem:s4], [sflag:s3], $0x1000, $0x38;
	[tilespmem:$0xC180] =	vst v63  }
0xde: {  	_ =	swait.ge [sflag:s25], $0x1000  }
0xdf: {  	[sflag:s25] =	ssyncset.done $0x0  }
0xe0: {  	[sflag:s25] =	ssyncadd.s32 $0xFFFFF000  }
0xe1: {  	_ =	swait.ge [sflag:s26], $0x1000  }
0xe2: {  	[sflag:s26] =	ssyncset.done $0x0  }
0xe3: {  	s30 =	sadd.s32 $0x1, s30;
	[sflag:s26] =	ssyncadd.s32 $0xFFFFF000  }
0xe4: {  	p0 =	sne.s32 s30, s15;
	_ =	swait.ge [sflag:s28], $0x1000  }
.Ltmp2:
0xe5: {  	[sflag:s28] =	ssyncset.done $0x0;
	(pc) =	sbr.rel @p0 .LBB2_1-.Ltmp2, $4  }
0xe6: {  	[sflag:s28] =	ssyncadd.s32 $0xFFFFF000  }
0xe7: {  	_ =	swait.ge [sflag:s29], $0x1000  }
0xe8: {  	[sflag:s29] =	ssyncset.done $0x0  }
0xe9: {  	[sflag:s29] =	ssyncadd.s32 $0xFFFFF000  }
0xea: {  	_ =	sfence.sel $0x180000  }
0xeb: {  	[bflag:$0x0] =	sbarrier.arrive $0xFFFF  }
0xec: {  	_ =	strace $0x90000047  }
0xed: {  	s0 =	stileid.u32;
	[bflag:$0x2] =	sbarrier.arrive $0xFFFF  }
0xee: {  	p0 =	sne.s32 s0, $0x0;
	s0 =	rddreg [dreg:$0x5]  }
0xef: {  	s0 =	sadd.s32 @!p0 $0x100000, s0  }
0xf0: {  	[sflag:s0] =	ssyncadd.tile.s32 @!p0 $0x1;
	_ =	shalt  }
.Lfunc_end2:
_tile_overlayer_lowered:
.L_overlay_start_2:
0xf1: {  	(tag) =	ssettag $0x2  }
0xf2: {  	s0 =	rddreg [dreg:$0x0];
	s2 =	stileid.u32  }
0xf3: {  	s1 =	rddreg [dreg:$0x1];
	p0 =	sne.s32 s2, $0x0  }
0xf4: {  	s3 =	rddreg [dreg:$0x2];
	[bflag:$0x3] =	sbarrier.arrive $0xFFFF;
	s2 =	simm.s32 @!p0 $0x1C0D  }
0xf5: {  	[timem:s3], [sflag:s2] =	dma.local @!p0 [hbm:s0], s1  }
0xf6: {  	s0 =	simm.s32 @!p0 $0xD  }
0xf7: {  	_ =	swait.ge @!p0 [sflag:s0], s1  }
0xf8: {  	s1 =	ssub.s32 @!p0 $0x0, s1;
	[sflag:s0] =	ssyncset.done @!p0 $0x0  }
0xf9: {  	[sflag:s0] =	ssyncadd.s32 @!p0 s1  }
0xfa: {  	[bflag:$0x3] =	sbarrier.arrive $0xFFFF  }
0xfb: {  	_ =	shalt  }

</sc_bundles>
